<compile_context>
chip_gen: v7x
topology: tpu7x:2x2x1
jax: 0.10.2.dev20260603
libtpu: 0.0.44.dev20260713+nightly
codegen_flags: <defaults>
</compile_context>

<pallas_src>
import functools

import jax
import jax.numpy as jnp
from jax import lax
from jax.experimental import pallas as pl
from jax.experimental.pallas import tpu as pltpu
from jax.experimental.pallas import tpu_sc as plsc

_PREC = jax.lax.Precision.DEFAULT
_DN = (((1,), (0,)), ((), ()))


def _dot(a, b):
    return lax.dot_general(a, b, _DN, precision=_PREC,
                           preferred_element_type=jnp.float32)



def _mm_bias(xc, w, bias, relu, Mb):
    B, M, K = xc.shape
    Cout = w.shape[-1]

    def body(x_ref, w_ref, b_ref, o_ref):
        acc = _dot(x_ref[0], w_ref[...]) + b_ref[...]
        if relu:
            acc = jnp.maximum(acc, 0.0)
        o_ref[0] = acc

    return pl.pallas_call(
        body,
        grid=(B, M // Mb),
        in_specs=[
            pl.BlockSpec((1, Mb, K), lambda i, m: (i, m, 0)),
            pl.BlockSpec((K, Cout), lambda i, m: (0, 0)),
            pl.BlockSpec((1, Cout), lambda i, m: (0, 0)),
        ],
        out_specs=pl.BlockSpec((1, Mb, Cout), lambda i, m: (i, m, 0)),
        out_shape=jax.ShapeDtypeStruct((B, M, Cout), jnp.float32),
    )(xc, w, bias)



def _enc2_vq(xab, w2, b2, ct, csq, Mb):
    B, M, Cin = xab[0].shape
    K = ct.shape[1]

    def body(x00, x01, x10, x11, w_ref, b_ref, ct_ref, csq_ref, o_ref):
        z = (_dot(x00[0], w_ref[0, 0]) + _dot(x01[0], w_ref[0, 1])
             + _dot(x10[0], w_ref[1, 0]) + _dot(x11[0], w_ref[1, 1])
             + b_ref[...])
        s = _dot(z, ct_ref[...])
        dist = jnp.sum(z * z, axis=1, keepdims=True) - 2.0 * s + csq_ref[...]
        minv = jnp.min(dist, axis=1, keepdims=True)
        lane = lax.broadcasted_iota(jnp.int32, dist.shape, 1)
        o_ref[0] = jnp.min(jnp.where(dist == minv, lane, K), axis=1,
                           keepdims=True)

    blk = lambda: pl.BlockSpec((1, Mb, Cin), lambda i, m: (i, m, 0))
    return pl.pallas_call(
        body,
        grid=(B, M // Mb),
        in_specs=[
            blk(), blk(), blk(), blk(),
            pl.BlockSpec((2, 2, Cin, 256), lambda i, m: (0, 0, 0, 0)),
            pl.BlockSpec((1, 256), lambda i, m: (0, 0)),
            pl.BlockSpec((256, K), lambda i, m: (0, 0)),
            pl.BlockSpec((1, K), lambda i, m: (0, 0)),
        ],
        out_specs=pl.BlockSpec((1, Mb, 1), lambda i, m: (i, m, 0)),
        out_shape=jax.ShapeDtypeStruct((B, M, 1), jnp.int32),
    )(*xab, w2, b2, ct, csq)



def _sc_gather(table, idx):
    info = plsc.get_sparse_core_info()
    NC, NS = info.num_cores, info.num_subcores
    NW = NC * NS
    CH, CB = 7, 112
    N, D = NW * CH * CB, table.shape[1]
    mesh = plsc.VectorSubcoreMesh(core_axis_name="c", subcore_axis_name="s")

    @functools.partial(
        pl.kernel, mesh=mesh,
        out_type=jax.ShapeDtypeStruct((N, D), jnp.float32),
        scratch_types=[
            pltpu.VMEM((1, CH, CB), jnp.int32),
            pltpu.VMEM((CB, D), jnp.float32),
            pltpu.VMEM((CB, D), jnp.float32),
            pltpu.VMEM((CB, D), jnp.float32),
            pltpu.VMEM((CB, D), jnp.float32),
            pltpu.SemaphoreType.DMA,
            pltpu.SemaphoreType.DMA,
            pltpu.SemaphoreType.DMA,
            pltpu.SemaphoreType.DMA,
        ],
    )
    def k(table_hbm, idx_hbm, out_hbm, idx_v, r0, r1, r2, r3,
          s0, s1, s2, s3):
        wid = lax.axis_index("s") * NC + lax.axis_index("c")
        base = wid * CH
        pltpu.sync_copy(idx_hbm.at[pl.ds(wid, 1)], idx_v)
        NB = 4
        bufs = ((r0, s0), (r1, s1), (r2, s2), (r3, s3))
        cps = [None] * NB
        for c in range(min(NB, CH)):
            rows, sem = bufs[c % NB]
            cps[c % NB] = pltpu.async_copy(
                table_hbm.at[idx_v.at[0, c]], rows, sem)
        for c in range(CH):
            rows, _ = bufs[c % NB]
            cps[c % NB].wait()
            pltpu.sync_copy(rows, out_hbm.at[pl.ds((base + c) * CB, CB)])
            n = c + NB
            if n < CH:
                rows_n, sem_n = bufs[n % NB]
                cps[n % NB] = pltpu.async_copy(
                    table_hbm.at[idx_v.at[0, n]], rows_n, sem_n)

    return k(table, idx)



def _dec_conv(yo, w9, bias, Mb, relu, out_dtype=jnp.float32):
    B, M, Cin = yo[0].shape
    Cout = w9.shape[-1]

    def body(*refs):
        o_ref, b_ref, w_ref = refs[-1], refs[-2], refs[-3]
        acc = jnp.zeros((Mb, Cout), jnp.float32)
        for oh in (0, 1, 2):
            for ow in (0, 1, 2):
                acc = acc + _dot(refs[oh * 3 + ow][0], w_ref[oh, ow])
        acc = acc + b_ref[...]
        if relu:
            acc = jnp.maximum(acc, 0.0)
        o_ref[0] = acc.astype(out_dtype)

    blk = lambda: pl.BlockSpec((1, Mb, Cin), lambda i, m: (i, m, 0))
    return pl.pallas_call(
        body,
        grid=(B, M // Mb),
        in_specs=(
            [blk() for _ in range(9)]
            + [
                pl.BlockSpec((3, 3, Cin, Cout), lambda i, m: (0, 0, 0, 0)),
                pl.BlockSpec((1, Cout), lambda i, m: (0, 0)),
            ]
        ),
        out_specs=pl.BlockSpec((1, Mb, Cout), lambda i, m: (i, m, 0)),
        out_shape=jax.ShapeDtypeStruct((B, M, Cout), out_dtype),
    )(*yo, w9, bias)



def _s2d(x):
    B, Hp, Wp, C = x.shape
    x = x.reshape(B, Hp // 2, 2, Wp // 2, 2, C)
    return x.transpose(0, 1, 3, 2, 4, 5).reshape(B, Hp // 2, Wp // 2, 4 * C)


def _pad1(x):
    return jnp.pad(x, ((0, 0), (1, 1), (1, 1), (0, 0)))


def _enc_w(w):
    O, C = w.shape[:2]
    w = w.reshape(O, C, 2, 2, 2, 2)
    return w.transpose(2, 4, 3, 5, 1, 0).reshape(2, 2, 4 * C, O)


def _dec2_w(w):
    Cout, Cin = w.shape[:2]
    w9 = jnp.zeros((3, 3, Cin, 4 * Cout), jnp.float32)
    for oh in range(3):
        for ow in range(3):
            for rh in range(2):
                for rw in range(2):
                    if (oh - rh) in (0, 1) and (ow - rw) in (0, 1):
                        col = (rh * 2 + rw) * Cout
                        w9 = w9.at[oh, ow, :, col:col + Cout].set(
                            w[:, :, 2 * oh - rh, 2 * ow - rw].T)
    return w9


def _shift9(xp, Ho):
    B, _, _, C = xp.shape
    return [xp[:, oh:oh + Ho, ow:ow + Ho, :].reshape(B, Ho * Ho, C)
            for oh in range(3) for ow in range(3)]


def kernel(x, enc_w1, enc_b1, enc_w2, enc_b2, codebook, dec_w1, dec_b1,
           dec_w2, dec_b2):
    B = x.shape[0]
    xlp = _pad1(x.transpose(0, 2, 3, 1))
    cols = [xlp[:, kh:kh + 224:2, kw:kw + 224:2, :]
            for kh in range(4) for kw in range(4)]
    xc = jnp.concatenate(cols, axis=-1).reshape(B, 112 * 112, 48)
    w1 = enc_w1.transpose(2, 3, 1, 0).reshape(48, -1)
    y1 = _mm_bias(xc, w1, enc_b1[None, :], True, 1568)
    x2 = _s2d(_pad1(y1.reshape(B, 112, 112, -1)))
    ct = codebook.T
    csq = jnp.sum(codebook * codebook, axis=-1)[None, :]
    xab = [x2[:, a:a + 56, b:b + 56, :].reshape(B, 3136, 384)
           for a in range(2) for b in range(2)]
    idx = _enc2_vq(xab, _enc_w(enc_w2), enc_b2[None, :], ct, csq, 1568)
    q = _sc_gather(codebook, idx.reshape(32, 7, 112))
    q = lax.optimization_barrier(q)
    D = codebook.shape[1]
    qz = q.reshape(B, 56, 56, D)
    quantized = qz.transpose(0, 3, 1, 2)
    bf = jnp.bfloat16
    qz16 = qz.astype(bf)
    ph = _dec_conv(_shift9(_pad1(qz16), 56), _dec2_w(dec_w1).astype(bf),
                   jnp.tile(dec_b1, 4)[None, :], 1568, True, bf)
    yd = (ph.reshape(B, 56, 56, 2, 2, 96)
          .transpose(0, 1, 3, 2, 4, 5).reshape(B, 112, 112, 96))
    p2 = _dec_conv(_shift9(_pad1(yd), 112), _dec2_w(dec_w2).astype(bf),
                   jnp.tile(dec_b2, 4)[None, :], 1568, False)
    decoded = (p2.reshape(B, 112, 112, 2, 2, 3)
               .transpose(0, 5, 1, 3, 2, 4).reshape(B, 3, 224, 224))
    return decoded, quantized

# --- scband reference (transcript-rebuilt; emitter-appended) ---
"""Pipeline reference for scband-vqvae-63960652972097 (READ-ONLY COPY).

The authoritative reference and input builder live on the scoring server;
editing this copy changes nothing except your own understanding.
"""

import jax, jax.numpy as jnp
import numpy as np

def _conv(x, w, b, s):
    y = jax.lax.conv_general_dilated(x, w, (s, s), 'SAME', dimension_numbers=('NCHW', 'OIHW', 'NCHW'))
    return y + b[None, :, None, None]

def _convt(x, w, b, s):
    y = jax.lax.conv_transpose(x, w, (s, s), 'SAME', dimension_numbers=('NCHW', 'OIHW', 'NCHW'))
    return y + b[None, :, None, None]

def setup_inputs(seed: int = 0) -> dict:
    key = jax.random.key(seed)
    ks = jax.random.split(key, 8)
    B, C, H, W = 8, 3, 224, 224
    hid, emb, K = 96, 256, 1024
    inp = {}
    inp['x'] = jax.random.normal(ks[0], (B, C, H, W), dtype=jnp.float32)
    inp['enc_w1'] = jax.random.normal(ks[1], (hid, C, 4, 4), dtype=jnp.float32) * 0.05
    inp['enc_b1'] = jnp.zeros((hid,), jnp.float32)
    inp['enc_w2'] = jax.random.normal(ks[2], (emb, hid, 4, 4), dtype=jnp.float32) * 0.02
    inp['enc_b2'] = jnp.zeros((emb,), jnp.float32)
    inp['codebook'] = jax.random.normal(ks[3], (K, emb), dtype=jnp.float32)
    inp['dec_w1'] = jax.random.normal(ks[4], (hid, emb, 4, 4), dtype=jnp.float32) * 0.02
    inp['dec_b1'] = jnp.zeros((hid,), jnp.float32)
    inp['dec_w2'] = jax.random.normal(ks[5], (C, hid, 4, 4), dtype=jnp.float32) * 0.05
    inp['dec_b2'] = jnp.zeros((C,), jnp.float32)
    return inp

def reference(x, enc_w1, enc_b1, enc_w2, enc_b2, codebook, dec_w1, dec_b1, dec_w2, dec_b2):
    # encoder: two stride-2 convs -> latent [b, emb, 56, 56]
    z = jax.nn.relu(_conv(x, enc_w1, enc_b1, 2))
    z = _conv(z, enc_w2, enc_b2, 2)
    b, d, h, w = z.shape
    # codebook: channel-last flatten [b, h*w, d], nearest-neighbor quantize
    z_flat = jnp.transpose(z, (0, 2, 3, 1)).reshape(b, h * w, d)
    dist = (jnp.sum(z_flat ** 2, axis=-1, keepdims=True)
            - 2.0 * (z_flat @ codebook.T)
            + jnp.sum(codebook ** 2, axis=-1)[None, None, :])
    idx = jnp.argmin(dist, axis=-1)
    q_flat = jnp.take(codebook, idx, axis=0)
    # straight-through estimator
    q_flat = z_flat + jax.lax.stop_gradient(q_flat - z_flat)
    # _reshape: [b, n, d] -> [b, h, w, d] -> shift_dim(-1, 1) -> [b, d, h, w]
    quantized = jnp.transpose(q_flat.reshape(b, h, w, d), (0, 3, 1, 2))
    # decoder: two stride-2 transposed convs back to [b, 3, 224, 224]
    y = jax.nn.relu(_convt(quantized, dec_w1, dec_b1, 2))
    decoded = _convt(y, dec_w2, dec_b2, 2)
    return decoded, quantized

if __name__ == "__main__":
    import jax
    _d = setup_inputs()
    print(jax.jit(kernel)(*tuple(_d.values())))

</pallas_src>

<mosaic_0001>
#map = affine_map<(d0, d1) -> (0, 0)>
#map1 = affine_map<(d0, d1) -> (0, 0, 0)>
module attributes {stable_mosaic.version = 14 : i64} {
  func.func @k(%arg0: i32, %arg1: i32, %arg2: memref<1024x256xf32, #tpu.memory_space<hbm>>, %arg3: memref<32x7x112xi32, #tpu.memory_space<hbm>>, %arg4: memref<25088x256xf32, #tpu.memory_space<hbm>>, %arg5: memref<1x7x112xi32, #tpu.memory_space<vmem>>, %arg6: memref<112x256xf32, #tpu.memory_space<vmem>>, %arg7: memref<112x256xf32, #tpu.memory_space<vmem>>, %arg8: memref<112x256xf32, #tpu.memory_space<vmem>>, %arg9: memref<112x256xf32, #tpu.memory_space<vmem>>, %arg10: memref<!tpu.dma_semaphore, #tpu.memory_space<semaphore_mem>>, %arg11: memref<!tpu.dma_semaphore, #tpu.memory_space<semaphore_mem>>, %arg12: memref<!tpu.dma_semaphore, #tpu.memory_space<semaphore_mem>>, %arg13: memref<!tpu.dma_semaphore, #tpu.memory_space<semaphore_mem>>) attributes {dimension_semantics = [#tpu.dimension_semantics<core_parallel>, #tpu.dimension_semantics<subcore_parallel>], iteration_bounds = array<i64: 2, 16>, scalar_prefetch = 0 : i64, scratch_operands = 9 : i64, tpu.core_type = #tpu.core_type<sc_vector_subcore>, window_params = [{transform_indices = #map}, {transform_indices = #map1}, {transform_indices = #map}]} {
    %mul3A = arith.constant 2 : i32
    %mul3A_0 = arith.muli %arg1, %mul3A : i32
    %add3A = arith.addi %mul3A_0, %arg0 : i32
    %mul3A_1 = arith.constant 7 : i32
    %mul3A_2 = arith.muli %add3A, %mul3A_1 : i32
    "tpu.region"() ({
      %run_scoped3A = tpu.sem_alloc : memref<!tpu.dma_semaphore, #tpu.memory_space<semaphore_mem>>
      %dma_start3A_141 = arith.constant 0 : i32
      %dma_start3A_142 = arith.constant 0 : i32
      %dma_start3A_143 = tpu.memref_slice %arg3[%add3A, %dma_start3A_141, %dma_start3A_142] : memref<32x7x112xi32, #tpu.memory_space<hbm>> -> memref<1x7x112xi32, #tpu.memory_space<hbm>>
      %dma_start3A_144 = arith.constant 0 : i32
      %dma_start3A_145 = arith.constant 0 : i32
      %dma_start3A_146 = tpu.memref_slice %arg3[%add3A, %dma_start3A_144, %dma_start3A_145] : memref<32x7x112xi32, #tpu.memory_space<hbm>> -> memref<1x7x112xi32, #tpu.memory_space<hbm>>
      tpu.enqueue_dma source(%dma_start3A_146 : memref<1x7x112xi32, #tpu.memory_space<hbm>>) target(%arg5 : memref<1x7x112xi32, #tpu.memory_space<vmem>>) target_semaphore(%run_scoped3A : memref<!tpu.dma_semaphore, #tpu.memory_space<semaphore_mem>>)
      %dma_wait3A_147 = arith.constant 0 : i32
      %dma_wait3A_148 = arith.constant 0 : i32
      %dma_wait3A_149 = tpu.memref_slice %arg3[%add3A, %dma_wait3A_147, %dma_wait3A_148] : memref<32x7x112xi32, #tpu.memory_space<hbm>> -> memref<1x7x112xi32, #tpu.memory_space<hbm>>
      %dma_wait3A_150 = arith.constant 0 : i32
      %dma_wait3A_151 = arith.constant 0 : i32
      %dma_wait3A_152 = tpu.memref_slice %arg3[%add3A, %dma_wait3A_150, %dma_wait3A_151] : memref<32x7x112xi32, #tpu.memory_space<hbm>> -> memref<1x7x112xi32, #tpu.memory_space<hbm>>
      tpu.wait_dma2 semaphore(%run_scoped3A : memref<!tpu.dma_semaphore, #tpu.memory_space<semaphore_mem>>) src(%dma_wait3A_152 : memref<1x7x112xi32, #tpu.memory_space<hbm>>) dst(%arg5 : memref<1x7x112xi32, #tpu.memory_space<vmem>>)
      tpu.yield
    }) : () -> ()
    %dma_start3A = arith.constant 0 : i32
    %dma_start3A_3 = arith.constant 0 : i32
    %dma_start3A_4 = arith.constant 0 : i32
    %dma_start3A_5 = tpu.memref_slice %arg5[%dma_start3A, %dma_start3A_3, %dma_start3A_4] : memref<1x7x112xi32, #tpu.memory_space<vmem>> -> memref<1x1x112xi32, #tpu.memory_space<vmem>>
    %dma_start3A_6 = tpu.memref_squeeze %dma_start3A_5 : memref<1x1x112xi32, #tpu.memory_space<vmem>> -> memref<112xi32, #tpu.memory_space<vmem>>
    %dma_start3A_7 = arith.constant 0 : i32
    %dma_start3A_8 = arith.constant 0 : i32
    %dma_start3A_9 = tpu.memref_slice %arg2[%dma_start3A_7, %dma_start3A_8] : memref<1024x256xf32, #tpu.memory_space<hbm>> -> memref<1024x256xf32, #tpu.memory_space<hbm>>
    tpu.enqueue_indirect_dma source(%dma_start3A_9 : memref<1024x256xf32, #tpu.memory_space<hbm>>) target(%arg6 : memref<112x256xf32, #tpu.memory_space<vmem>>) offsets(%dma_start3A_6 : memref<112xi32, #tpu.memory_space<vmem>>) semaphore(%arg10 : memref<!tpu.dma_semaphore, #tpu.memory_space<semaphore_mem>>)
    %dma_start3A_10 = arith.constant 0 : i32
    %dma_start3A_11 = arith.constant 1 : i32
    %dma_start3A_12 = arith.constant 0 : i32
    %dma_start3A_13 = tpu.memref_slice %arg5[%dma_start3A_10, %dma_start3A_11, %dma_start3A_12] : memref<1x7x112xi32, #tpu.memory_space<vmem>> -> memref<1x1x112xi32, #tpu.memory_space<vmem>>
    %dma_start3A_14 = tpu.memref_squeeze %dma_start3A_13 : memref<1x1x112xi32, #tpu.memory_space<vmem>> -> memref<112xi32, #tpu.memory_space<vmem>>
    %dma_start3A_15 = arith.constant 0 : i32
    %dma_start3A_16 = arith.constant 0 : i32
    %dma_start3A_17 = tpu.memref_slice %arg2[%dma_start3A_15, %dma_start3A_16] : memref<1024x256xf32, #tpu.memory_space<hbm>> -> memref<1024x256xf32, #tpu.memory_space<hbm>>
    tpu.enqueue_indirect_dma source(%dma_start3A_17 : memref<1024x256xf32, #tpu.memory_space<hbm>>) target(%arg7 : memref<112x256xf32, #tpu.memory_space<vmem>>) offsets(%dma_start3A_14 : memref<112xi32, #tpu.memory_space<vmem>>) semaphore(%arg11 : memref<!tpu.dma_semaphore, #tpu.memory_space<semaphore_mem>>)
    %dma_start3A_18 = arith.constant 0 : i32
    %dma_start3A_19 = arith.constant 2 : i32
    %dma_start3A_20 = arith.constant 0 : i32
    %dma_start3A_21 = tpu.memref_slice %arg5[%dma_start3A_18, %dma_start3A_19, %dma_start3A_20] : memref<1x7x112xi32, #tpu.memory_space<vmem>> -> memref<1x1x112xi32, #tpu.memory_space<vmem>>
    %dma_start3A_22 = tpu.memref_squeeze %dma_start3A_21 : memref<1x1x112xi32, #tpu.memory_space<vmem>> -> memref<112xi32, #tpu.memory_space<vmem>>
    %dma_start3A_23 = arith.constant 0 : i32
    %dma_start3A_24 = arith.constant 0 : i32
    %dma_start3A_25 = tpu.memref_slice %arg2[%dma_start3A_23, %dma_start3A_24] : memref<1024x256xf32, #tpu.memory_space<hbm>> -> memref<1024x256xf32, #tpu.memory_space<hbm>>
    tpu.enqueue_indirect_dma source(%dma_start3A_25 : memref<1024x256xf32, #tpu.memory_space<hbm>>) target(%arg8 : memref<112x256xf32, #tpu.memory_space<vmem>>) offsets(%dma_start3A_22 : memref<112xi32, #tpu.memory_space<vmem>>) semaphore(%arg12 : memref<!tpu.dma_semaphore, #tpu.memory_space<semaphore_mem>>)
    %dma_start3A_26 = arith.constant 0 : i32
    %dma_start3A_27 = arith.constant 3 : i32
    %dma_start3A_28 = arith.constant 0 : i32
    %dma_start3A_29 = tpu.memref_slice %arg5[%dma_start3A_26, %dma_start3A_27, %dma_start3A_28] : memref<1x7x112xi32, #tpu.memory_space<vmem>> -> memref<1x1x112xi32, #tpu.memory_space<vmem>>
    %dma_start3A_30 = tpu.memref_squeeze %dma_start3A_29 : memref<1x1x112xi32, #tpu.memory_space<vmem>> -> memref<112xi32, #tpu.memory_space<vmem>>
    %dma_start3A_31 = arith.constant 0 : i32
    %dma_start3A_32 = arith.constant 0 : i32
    %dma_start3A_33 = tpu.memref_slice %arg2[%dma_start3A_31, %dma_start3A_32] : memref<1024x256xf32, #tpu.memory_space<hbm>> -> memref<1024x256xf32, #tpu.memory_space<hbm>>
    tpu.enqueue_indirect_dma source(%dma_start3A_33 : memref<1024x256xf32, #tpu.memory_space<hbm>>) target(%arg9 : memref<112x256xf32, #tpu.memory_space<vmem>>) offsets(%dma_start3A_30 : memref<112xi32, #tpu.memory_space<vmem>>) semaphore(%arg13 : memref<!tpu.dma_semaphore, #tpu.memory_space<semaphore_mem>>)
    %dma_wait3A = arith.constant 0 : i32
    %dma_wait3A_34 = arith.constant 0 : i32
    %dma_wait3A_35 = arith.constant 0 : i32
    %dma_wait3A_36 = tpu.memref_slice %arg5[%dma_wait3A, %dma_wait3A_34, %dma_wait3A_35] : memref<1x7x112xi32, #tpu.memory_space<vmem>> -> memref<1x1x112xi32, #tpu.memory_space<vmem>>
    %dma_wait3A_37 = tpu.memref_squeeze %dma_wait3A_36 : memref<1x1x112xi32, #tpu.memory_space<vmem>> -> memref<112xi32, #tpu.memory_space<vmem>>
    %dma_wait3A_38 = arith.constant 0 : i32
    %dma_wait3A_39 = arith.constant 0 : i32
    %dma_wait3A_40 = tpu.memref_slice %arg2[%dma_wait3A_38, %dma_wait3A_39] : memref<1024x256xf32, #tpu.memory_space<hbm>> -> memref<1024x256xf32, #tpu.memory_space<hbm>>
    tpu.wait_indirect_dma semaphore(%arg10 : memref<!tpu.dma_semaphore, #tpu.memory_space<semaphore_mem>>) src(%dma_wait3A_40 : memref<1024x256xf32, #tpu.memory_space<hbm>>) dst(%arg6 : memref<112x256xf32, #tpu.memory_space<vmem>>)
    %add3A_41 = arith.constant 0 : i32
    %add3A_42 = arith.addi %mul3A_2, %add3A_41 : i32
    %mul3A_43 = arith.constant 112 : i32
    %mul3A_44 = arith.muli %add3A_42, %mul3A_43 : i32
    "tpu.region"() ({
      %run_scoped3A = tpu.sem_alloc : memref<!tpu.dma_semaphore, #tpu.memory_space<semaphore_mem>>
      %dma_start3A_141 = arith.constant 0 : i32
      %dma_start3A_142 = tpu.memref_slice %arg4[%mul3A_44, %dma_start3A_141] : memref<25088x256xf32, #tpu.memory_space<hbm>> -> memref<112x256xf32, #tpu.memory_space<hbm>>
      %dma_start3A_143 = arith.constant 0 : i32
      %dma_start3A_144 = tpu.memref_slice %arg4[%mul3A_44, %dma_start3A_143] : memref<25088x256xf32, #tpu.memory_space<hbm>> -> memref<112x256xf32, #tpu.memory_space<hbm>>
      tpu.enqueue_dma source(%arg6 : memref<112x256xf32, #tpu.memory_space<vmem>>) target(%dma_start3A_144 : memref<112x256xf32, #tpu.memory_space<hbm>>) target_semaphore(%run_scoped3A : memref<!tpu.dma_semaphore, #tpu.memory_space<semaphore_mem>>)
      %dma_wait3A_145 = arith.constant 0 : i32
      %dma_wait3A_146 = tpu.memref_slice %arg4[%mul3A_44, %dma_wait3A_145] : memref<25088x256xf32, #tpu.memory_space<hbm>> -> memref<112x256xf32, #tpu.memory_space<hbm>>
      %dma_wait3A_147 = arith.constant 0 : i32
      %dma_wait3A_148 = tpu.memref_slice %arg4[%mul3A_44, %dma_wait3A_147] : memref<25088x256xf32, #tpu.memory_space<hbm>> -> memref<112x256xf32, #tpu.memory_space<hbm>>
      tpu.wait_dma2 semaphore(%run_scoped3A : memref<!tpu.dma_semaphore, #tpu.memory_space<semaphore_mem>>) src(%arg6 : memref<112x256xf32, #tpu.memory_space<vmem>>) dst(%dma_wait3A_148 : memref<112x256xf32, #tpu.memory_space<hbm>>)
      tpu.yield
    }) : () -> ()
    %dma_start3A_45 = arith.constant 0 : i32
    %dma_start3A_46 = arith.constant 4 : i32
    %dma_start3A_47 = arith.constant 0 : i32
    %dma_start3A_48 = tpu.memref_slice %arg5[%dma_start3A_45, %dma_start3A_46, %dma_start3A_47] : memref<1x7x112xi32, #tpu.memory_space<vmem>> -> memref<1x1x112xi32, #tpu.memory_space<vmem>>
    %dma_start3A_49 = tpu.memref_squeeze %dma_start3A_48 : memref<1x1x112xi32, #tpu.memory_space<vmem>> -> memref<112xi32, #tpu.memory_space<vmem>>
    %dma_start3A_50 = arith.constant 0 : i32
    %dma_start3A_51 = arith.constant 0 : i32
    %dma_start3A_52 = tpu.memref_slice %arg2[%dma_start3A_50, %dma_start3A_51] : memref<1024x256xf32, #tpu.memory_space<hbm>> -> memref<1024x256xf32, #tpu.memory_space<hbm>>
    tpu.enqueue_indirect_dma source(%dma_start3A_52 : memref<1024x256xf32, #tpu.memory_space<hbm>>) target(%arg6 : memref<112x256xf32, #tpu.memory_space<vmem>>) offsets(%dma_start3A_49 : memref<112xi32, #tpu.memory_space<vmem>>) semaphore(%arg10 : memref<!tpu.dma_semaphore, #tpu.memory_space<semaphore_mem>>)
    %dma_wait3A_53 = arith.constant 0 : i32
    %dma_wait3A_54 = arith.constant 1 : i32
    %dma_wait3A_55 = arith.constant 0 : i32
    %dma_wait3A_56 = tpu.memref_slice %arg5[%dma_wait3A_53, %dma_wait3A_54, %dma_wait3A_55] : memref<1x7x112xi32, #tpu.memory_space<vmem>> -> memref<1x1x112xi32, #tpu.memory_space<vmem>>
    %dma_wait3A_57 = tpu.memref_squeeze %dma_wait3A_56 : memref<1x1x112xi32, #tpu.memory_space<vmem>> -> memref<112xi32, #tpu.memory_space<vmem>>
    %dma_wait3A_58 = arith.constant 0 : i32
    %dma_wait3A_59 = arith.constant 0 : i32
    %dma_wait3A_60 = tpu.memref_slice %arg2[%dma_wait3A_58, %dma_wait3A_59] : memref<1024x256xf32, #tpu.memory_space<hbm>> -> memref<1024x256xf32, #tpu.memory_space<hbm>>
    tpu.wait_indirect_dma semaphore(%arg11 : memref<!tpu.dma_semaphore, #tpu.memory_space<semaphore_mem>>) src(%dma_wait3A_60 : memref<1024x256xf32, #tpu.memory_space<hbm>>) dst(%arg7 : memref<112x256xf32, #tpu.memory_space<vmem>>)
    %add3A_61 = arith.constant 1 : i32
    %add3A_62 = arith.addi %mul3A_2, %add3A_61 : i32
    %mul3A_63 = arith.constant 112 : i32
    %mul3A_64 = arith.muli %add3A_62, %mul3A_63 : i32
    "tpu.region"() ({
      %run_scoped3A = tpu.sem_alloc : memref<!tpu.dma_semaphore, #tpu.memory_space<semaphore_mem>>
      %dma_start3A_141 = arith.constant 0 : i32
      %dma_start3A_142 = tpu.memref_slice %arg4[%mul3A_64, %dma_start3A_141] : memref<25088x256xf32, #tpu.memory_space<hbm>> -> memref<112x256xf32, #tpu.memory_space<hbm>>
      %dma_start3A_143 = arith.constant 0 : i32
      %dma_start3A_144 = tpu.memref_slice %arg4[%mul3A_64, %dma_start3A_143] : memref<25088x256xf32, #tpu.memory_space<hbm>> -> memref<112x256xf32, #tpu.memory_space<hbm>>
      tpu.enqueue_dma source(%arg7 : memref<112x256xf32, #tpu.memory_space<vmem>>) target(%dma_start3A_144 : memref<112x256xf32, #tpu.memory_space<hbm>>) target_semaphore(%run_scoped3A : memref<!tpu.dma_semaphore, #tpu.memory_space<semaphore_mem>>)
      %dma_wait3A_145 = arith.constant 0 : i32
      %dma_wait3A_146 = tpu.memref_slice %arg4[%mul3A_64, %dma_wait3A_145] : memref<25088x256xf32, #tpu.memory_space<hbm>> -> memref<112x256xf32, #tpu.memory_space<hbm>>
      %dma_wait3A_147 = arith.constant 0 : i32
      %dma_wait3A_148 = tpu.memref_slice %arg4[%mul3A_64, %dma_wait3A_147] : memref<25088x256xf32, #tpu.memory_space<hbm>> -> memref<112x256xf32, #tpu.memory_space<hbm>>
      tpu.wait_dma2 semaphore(%run_scoped3A : memref<!tpu.dma_semaphore, #tpu.memory_space<semaphore_mem>>) src(%arg7 : memref<112x256xf32, #tpu.memory_space<vmem>>) dst(%dma_wait3A_148 : memref<112x256xf32, #tpu.memory_space<hbm>>)
      tpu.yield
    }) : () -> ()
    %dma_start3A_65 = arith.constant 0 : i32
    %dma_start3A_66 = arith.constant 5 : i32
    %dma_start3A_67 = arith.constant 0 : i32
    %dma_start3A_68 = tpu.memref_slice %arg5[%dma_start3A_65, %dma_start3A_66, %dma_start3A_67] : memref<1x7x112xi32, #tpu.memory_space<vmem>> -> memref<1x1x112xi32, #tpu.memory_space<vmem>>
    %dma_start3A_69 = tpu.memref_squeeze %dma_start3A_68 : memref<1x1x112xi32, #tpu.memory_space<vmem>> -> memref<112xi32, #tpu.memory_space<vmem>>
    %dma_start3A_70 = arith.constant 0 : i32
    %dma_start3A_71 = arith.constant 0 : i32
    %dma_start3A_72 = tpu.memref_slice %arg2[%dma_start3A_70, %dma_start3A_71] : memref<1024x256xf32, #tpu.memory_space<hbm>> -> memref<1024x256xf32, #tpu.memory_space<hbm>>
    tpu.enqueue_indirect_dma source(%dma_start3A_72 : memref<1024x256xf32, #tpu.memory_space<hbm>>) target(%arg7 : memref<112x256xf32, #tpu.memory_space<vmem>>) offsets(%dma_start3A_69 : memref<112xi32, #tpu.memory_space<vmem>>) semaphore(%arg11 : memref<!tpu.dma_semaphore, #tpu.memory_space<semaphore_mem>>)
    %dma_wait3A_73 = arith.constant 0 : i32
    %dma_wait3A_74 = arith.constant 2 : i32
    %dma_wait3A_75 = arith.constant 0 : i32
    %dma_wait3A_76 = tpu.memref_slice %arg5[%dma_wait3A_73, %dma_wait3A_74, %dma_wait3A_75] : memref<1x7x112xi32, #tpu.memory_space<vmem>> -> memref<1x1x112xi32, #tpu.memory_space<vmem>>
    %dma_wait3A_77 = tpu.memref_squeeze %dma_wait3A_76 : memref<1x1x112xi32, #tpu.memory_space<vmem>> -> memref<112xi32, #tpu.memory_space<vmem>>
    %dma_wait3A_78 = arith.constant 0 : i32
    %dma_wait3A_79 = arith.constant 0 : i32
    %dma_wait3A_80 = tpu.memref_slice %arg2[%dma_wait3A_78, %dma_wait3A_79] : memref<1024x256xf32, #tpu.memory_space<hbm>> -> memref<1024x256xf32, #tpu.memory_space<hbm>>
    tpu.wait_indirect_dma semaphore(%arg12 : memref<!tpu.dma_semaphore, #tpu.memory_space<semaphore_mem>>) src(%dma_wait3A_80 : memref<1024x256xf32, #tpu.memory_space<hbm>>) dst(%arg8 : memref<112x256xf32, #tpu.memory_space<vmem>>)
    %add3A_81 = arith.constant 2 : i32
    %add3A_82 = arith.addi %mul3A_2, %add3A_81 : i32
    %mul3A_83 = arith.constant 112 : i32
    %mul3A_84 = arith.muli %add3A_82, %mul3A_83 : i32
    "tpu.region"() ({
      %run_scoped3A = tpu.sem_alloc : memref<!tpu.dma_semaphore, #tpu.memory_space<semaphore_mem>>
      %dma_start3A_141 = arith.constant 0 : i32
      %dma_start3A_142 = tpu.memref_slice %arg4[%mul3A_84, %dma_start3A_141] : memref<25088x256xf32, #tpu.memory_space<hbm>> -> memref<112x256xf32, #tpu.memory_space<hbm>>
      %dma_start3A_143 = arith.constant 0 : i32
      %dma_start3A_144 = tpu.memref_slice %arg4[%mul3A_84, %dma_start3A_143] : memref<25088x256xf32, #tpu.memory_space<hbm>> -> memref<112x256xf32, #tpu.memory_space<hbm>>
      tpu.enqueue_dma source(%arg8 : memref<112x256xf32, #tpu.memory_space<vmem>>) target(%dma_start3A_144 : memref<112x256xf32, #tpu.memory_space<hbm>>) target_semaphore(%run_scoped3A : memref<!tpu.dma_semaphore, #tpu.memory_space<semaphore_mem>>)
      %dma_wait3A_145 = arith.constant 0 : i32
      %dma_wait3A_146 = tpu.memref_slice %arg4[%mul3A_84, %dma_wait3A_145] : memref<25088x256xf32, #tpu.memory_space<hbm>> -> memref<112x256xf32, #tpu.memory_space<hbm>>
      %dma_wait3A_147 = arith.constant 0 : i32
      %dma_wait3A_148 = tpu.memref_slice %arg4[%mul3A_84, %dma_wait3A_147] : memref<25088x256xf32, #tpu.memory_space<hbm>> -> memref<112x256xf32, #tpu.memory_space<hbm>>
      tpu.wait_dma2 semaphore(%run_scoped3A : memref<!tpu.dma_semaphore, #tpu.memory_space<semaphore_mem>>) src(%arg8 : memref<112x256xf32, #tpu.memory_space<vmem>>) dst(%dma_wait3A_148 : memref<112x256xf32, #tpu.memory_space<hbm>>)
      tpu.yield
    }) : () -> ()
    %dma_start3A_85 = arith.constant 0 : i32
    %dma_start3A_86 = arith.constant 6 : i32
    %dma_start3A_87 = arith.constant 0 : i32
    %dma_start3A_88 = tpu.memref_slice %arg5[%dma_start3A_85, %dma_start3A_86, %dma_start3A_87] : memref<1x7x112xi32, #tpu.memory_space<vmem>> -> memref<1x1x112xi32, #tpu.memory_space<vmem>>
    %dma_start3A_89 = tpu.memref_squeeze %dma_start3A_88 : memref<1x1x112xi32, #tpu.memory_space<vmem>> -> memref<112xi32, #tpu.memory_space<vmem>>
    %dma_start3A_90 = arith.constant 0 : i32
    %dma_start3A_91 = arith.constant 0 : i32
    %dma_start3A_92 = tpu.memref_slice %arg2[%dma_start3A_90, %dma_start3A_91] : memref<1024x256xf32, #tpu.memory_space<hbm>> -> memref<1024x256xf32, #tpu.memory_space<hbm>>
    tpu.enqueue_indirect_dma source(%dma_start3A_92 : memref<1024x256xf32, #tpu.memory_space<hbm>>) target(%arg8 : memref<112x256xf32, #tpu.memory_space<vmem>>) offsets(%dma_start3A_89 : memref<112xi32, #tpu.memory_space<vmem>>) semaphore(%arg12 : memref<!tpu.dma_semaphore, #tpu.memory_space<semaphore_mem>>)
    %dma_wait3A_93 = arith.constant 0 : i32
    %dma_wait3A_94 = arith.constant 3 : i32
    %dma_wait3A_95 = arith.constant 0 : i32
    %dma_wait3A_96 = tpu.memref_slice %arg5[%dma_wait3A_93, %dma_wait3A_94, %dma_wait3A_95] : memref<1x7x112xi32, #tpu.memory_space<vmem>> -> memref<1x1x112xi32, #tpu.memory_space<vmem>>
    %dma_wait3A_97 = tpu.memref_squeeze %dma_wait3A_96 : memref<1x1x112xi32, #tpu.memory_space<vmem>> -> memref<112xi32, #tpu.memory_space<vmem>>
    %dma_wait3A_98 = arith.constant 0 : i32
    %dma_wait3A_99 = arith.constant 0 : i32
    %dma_wait3A_100 = tpu.memref_slice %arg2[%dma_wait3A_98, %dma_wait3A_99] : memref<1024x256xf32, #tpu.memory_space<hbm>> -> memref<1024x256xf32, #tpu.memory_space<hbm>>
    tpu.wait_indirect_dma semaphore(%arg13 : memref<!tpu.dma_semaphore, #tpu.memory_space<semaphore_mem>>) src(%dma_wait3A_100 : memref<1024x256xf32, #tpu.memory_space<hbm>>) dst(%arg9 : memref<112x256xf32, #tpu.memory_space<vmem>>)
    %add3A_101 = arith.constant 3 : i32
    %add3A_102 = arith.addi %mul3A_2, %add3A_101 : i32
    %mul3A_103 = arith.constant 112 : i32
    %mul3A_104 = arith.muli %add3A_102, %mul3A_103 : i32
    "tpu.region"() ({
      %run_scoped3A = tpu.sem_alloc : memref<!tpu.dma_semaphore, #tpu.memory_space<semaphore_mem>>
      %dma_start3A_141 = arith.constant 0 : i32
      %dma_start3A_142 = tpu.memref_slice %arg4[%mul3A_104, %dma_start3A_141] : memref<25088x256xf32, #tpu.memory_space<hbm>> -> memref<112x256xf32, #tpu.memory_space<hbm>>
      %dma_start3A_143 = arith.constant 0 : i32
      %dma_start3A_144 = tpu.memref_slice %arg4[%mul3A_104, %dma_start3A_143] : memref<25088x256xf32, #tpu.memory_space<hbm>> -> memref<112x256xf32, #tpu.memory_space<hbm>>
      tpu.enqueue_dma source(%arg9 : memref<112x256xf32, #tpu.memory_space<vmem>>) target(%dma_start3A_144 : memref<112x256xf32, #tpu.memory_space<hbm>>) target_semaphore(%run_scoped3A : memref<!tpu.dma_semaphore, #tpu.memory_space<semaphore_mem>>)
      %dma_wait3A_145 = arith.constant 0 : i32
      %dma_wait3A_146 = tpu.memref_slice %arg4[%mul3A_104, %dma_wait3A_145] : memref<25088x256xf32, #tpu.memory_space<hbm>> -> memref<112x256xf32, #tpu.memory_space<hbm>>
      %dma_wait3A_147 = arith.constant 0 : i32
      %dma_wait3A_148 = tpu.memref_slice %arg4[%mul3A_104, %dma_wait3A_147] : memref<25088x256xf32, #tpu.memory_space<hbm>> -> memref<112x256xf32, #tpu.memory_space<hbm>>
      tpu.wait_dma2 semaphore(%run_scoped3A : memref<!tpu.dma_semaphore, #tpu.memory_space<semaphore_mem>>) src(%arg9 : memref<112x256xf32, #tpu.memory_space<vmem>>) dst(%dma_wait3A_148 : memref<112x256xf32, #tpu.memory_space<hbm>>)
      tpu.yield
    }) : () -> ()
    %dma_wait3A_105 = arith.constant 0 : i32
    %dma_wait3A_106 = arith.constant 4 : i32
    %dma_wait3A_107 = arith.constant 0 : i32
    %dma_wait3A_108 = tpu.memref_slice %arg5[%dma_wait3A_105, %dma_wait3A_106, %dma_wait3A_107] : memref<1x7x112xi32, #tpu.memory_space<vmem>> -> memref<1x1x112xi32, #tpu.memory_space<vmem>>
    %dma_wait3A_109 = tpu.memref_squeeze %dma_wait3A_108 : memref<1x1x112xi32, #tpu.memory_space<vmem>> -> memref<112xi32, #tpu.memory_space<vmem>>
    %dma_wait3A_110 = arith.constant 0 : i32
    %dma_wait3A_111 = arith.constant 0 : i32
    %dma_wait3A_112 = tpu.memref_slice %arg2[%dma_wait3A_110, %dma_wait3A_111] : memref<1024x256xf32, #tpu.memory_space<hbm>> -> memref<1024x256xf32, #tpu.memory_space<hbm>>
    tpu.wait_indirect_dma semaphore(%arg10 : memref<!tpu.dma_semaphore, #tpu.memory_space<semaphore_mem>>) src(%dma_wait3A_112 : memref<1024x256xf32, #tpu.memory_space<hbm>>) dst(%arg6 : memref<112x256xf32, #tpu.memory_space<vmem>>)
    %add3A_113 = arith.constant 4 : i32
    %add3A_114 = arith.addi %mul3A_2, %add3A_113 : i32
    %mul3A_115 = arith.constant 112 : i32
    %mul3A_116 = arith.muli %add3A_114, %mul3A_115 : i32
    "tpu.region"() ({
      %run_scoped3A = tpu.sem_alloc : memref<!tpu.dma_semaphore, #tpu.memory_space<semaphore_mem>>
      %dma_start3A_141 = arith.constant 0 : i32
      %dma_start3A_142 = tpu.memref_slice %arg4[%mul3A_116, %dma_start3A_141] : memref<25088x256xf32, #tpu.memory_space<hbm>> -> memref<112x256xf32, #tpu.memory_space<hbm>>
      %dma_start3A_143 = arith.constant 0 : i32
      %dma_start3A_144 = tpu.memref_slice %arg4[%mul3A_116, %dma_start3A_143] : memref<25088x256xf32, #tpu.memory_space<hbm>> -> memref<112x256xf32, #tpu.memory_space<hbm>>
      tpu.enqueue_dma source(%arg6 : memref<112x256xf32, #tpu.memory_space<vmem>>) target(%dma_start3A_144 : memref<112x256xf32, #tpu.memory_space<hbm>>) target_semaphore(%run_scoped3A : memref<!tpu.dma_semaphore, #tpu.memory_space<semaphore_mem>>)
      %dma_wait3A_145 = arith.constant 0 : i32
      %dma_wait3A_146 = tpu.memref_slice %arg4[%mul3A_116, %dma_wait3A_145] : memref<25088x256xf32, #tpu.memory_space<hbm>> -> memref<112x256xf32, #tpu.memory_space<hbm>>
      %dma_wait3A_147 = arith.constant 0 : i32
      %dma_wait3A_148 = tpu.memref_slice %arg4[%mul3A_116, %dma_wait3A_147] : memref<25088x256xf32, #tpu.memory_space<hbm>> -> memref<112x256xf32, #tpu.memory_space<hbm>>
      tpu.wait_dma2 semaphore(%run_scoped3A : memref<!tpu.dma_semaphore, #tpu.memory_space<semaphore_mem>>) src(%arg6 : memref<112x256xf32, #tpu.memory_space<vmem>>) dst(%dma_wait3A_148 : memref<112x256xf32, #tpu.memory_space<hbm>>)
      tpu.yield
    }) : () -> ()
    %dma_wait3A_117 = arith.constant 0 : i32
    %dma_wait3A_118 = arith.constant 5 : i32
    %dma_wait3A_119 = arith.constant 0 : i32
    %dma_wait3A_120 = tpu.memref_slice %arg5[%dma_wait3A_117, %dma_wait3A_118, %dma_wait3A_119] : memref<1x7x112xi32, #tpu.memory_space<vmem>> -> memref<1x1x112xi32, #tpu.memory_space<vmem>>
    %dma_wait3A_121 = tpu.memref_squeeze %dma_wait3A_120 : memref<1x1x112xi32, #tpu.memory_space<vmem>> -> memref<112xi32, #tpu.memory_space<vmem>>
    %dma_wait3A_122 = arith.constant 0 : i32
    %dma_wait3A_123 = arith.constant 0 : i32
    %dma_wait3A_124 = tpu.memref_slice %arg2[%dma_wait3A_122, %dma_wait3A_123] : memref<1024x256xf32, #tpu.memory_space<hbm>> -> memref<1024x256xf32, #tpu.memory_space<hbm>>
    tpu.wait_indirect_dma semaphore(%arg11 : memref<!tpu.dma_semaphore, #tpu.memory_space<semaphore_mem>>) src(%dma_wait3A_124 : memref<1024x256xf32, #tpu.memory_space<hbm>>) dst(%arg7 : memref<112x256xf32, #tpu.memory_space<vmem>>)
    %add3A_125 = arith.constant 5 : i32
    %add3A_126 = arith.addi %mul3A_2, %add3A_125 : i32
    %mul3A_127 = arith.constant 112 : i32
    %mul3A_128 = arith.muli %add3A_126, %mul3A_127 : i32
    "tpu.region"() ({
      %run_scoped3A = tpu.sem_alloc : memref<!tpu.dma_semaphore, #tpu.memory_space<semaphore_mem>>
      %dma_start3A_141 = arith.constant 0 : i32
      %dma_start3A_142 = tpu.memref_slice %arg4[%mul3A_128, %dma_start3A_141] : memref<25088x256xf32, #tpu.memory_space<hbm>> -> memref<112x256xf32, #tpu.memory_space<hbm>>
      %dma_start3A_143 = arith.constant 0 : i32
      %dma_start3A_144 = tpu.memref_slice %arg4[%mul3A_128, %dma_start3A_143] : memref<25088x256xf32, #tpu.memory_space<hbm>> -> memref<112x256xf32, #tpu.memory_space<hbm>>
      tpu.enqueue_dma source(%arg7 : memref<112x256xf32, #tpu.memory_space<vmem>>) target(%dma_start3A_144 : memref<112x256xf32, #tpu.memory_space<hbm>>) target_semaphore(%run_scoped3A : memref<!tpu.dma_semaphore, #tpu.memory_space<semaphore_mem>>)
      %dma_wait3A_145 = arith.constant 0 : i32
      %dma_wait3A_146 = tpu.memref_slice %arg4[%mul3A_128, %dma_wait3A_145] : memref<25088x256xf32, #tpu.memory_space<hbm>> -> memref<112x256xf32, #tpu.memory_space<hbm>>
      %dma_wait3A_147 = arith.constant 0 : i32
      %dma_wait3A_148 = tpu.memref_slice %arg4[%mul3A_128, %dma_wait3A_147] : memref<25088x256xf32, #tpu.memory_space<hbm>> -> memref<112x256xf32, #tpu.memory_space<hbm>>
      tpu.wait_dma2 semaphore(%run_scoped3A : memref<!tpu.dma_semaphore, #tpu.memory_space<semaphore_mem>>) src(%arg7 : memref<112x256xf32, #tpu.memory_space<vmem>>) dst(%dma_wait3A_148 : memref<112x256xf32, #tpu.memory_space<hbm>>)
      tpu.yield
    }) : () -> ()
    %dma_wait3A_129 = arith.constant 0 : i32
    %dma_wait3A_130 = arith.constant 6 : i32
    %dma_wait3A_131 = arith.constant 0 : i32
    %dma_wait3A_132 = tpu.memref_slice %arg5[%dma_wait3A_129, %dma_wait3A_130, %dma_wait3A_131] : memref<1x7x112xi32, #tpu.memory_space<vmem>> -> memref<1x1x112xi32, #tpu.memory_space<vmem>>
    %dma_wait3A_133 = tpu.memref_squeeze %dma_wait3A_132 : memref<1x1x112xi32, #tpu.memory_space<vmem>> -> memref<112xi32, #tpu.memory_space<vmem>>
    %dma_wait3A_134 = arith.constant 0 : i32
    %dma_wait3A_135 = arith.constant 0 : i32
    %dma_wait3A_136 = tpu.memref_slice %arg2[%dma_wait3A_134, %dma_wait3A_135] : memref<1024x256xf32, #tpu.memory_space<hbm>> -> memref<1024x256xf32, #tpu.memory_space<hbm>>
    tpu.wait_indirect_dma semaphore(%arg12 : memref<!tpu.dma_semaphore, #tpu.memory_space<semaphore_mem>>) src(%dma_wait3A_136 : memref<1024x256xf32, #tpu.memory_space<hbm>>) dst(%arg8 : memref<112x256xf32, #tpu.memory_space<vmem>>)
    %add3A_137 = arith.constant 6 : i32
    %add3A_138 = arith.addi %mul3A_2, %add3A_137 : i32
    %mul3A_139 = arith.constant 112 : i32
    %mul3A_140 = arith.muli %add3A_138, %mul3A_139 : i32
    "tpu.region"() ({
      %run_scoped3A = tpu.sem_alloc : memref<!tpu.dma_semaphore, #tpu.memory_space<semaphore_mem>>
      %dma_start3A_141 = arith.constant 0 : i32
      %dma_start3A_142 = tpu.memref_slice %arg4[%mul3A_140, %dma_start3A_141] : memref<25088x256xf32, #tpu.memory_space<hbm>> -> memref<112x256xf32, #tpu.memory_space<hbm>>
      %dma_start3A_143 = arith.constant 0 : i32
      %dma_start3A_144 = tpu.memref_slice %arg4[%mul3A_140, %dma_start3A_143] : memref<25088x256xf32, #tpu.memory_space<hbm>> -> memref<112x256xf32, #tpu.memory_space<hbm>>
      tpu.enqueue_dma source(%arg8 : memref<112x256xf32, #tpu.memory_space<vmem>>) target(%dma_start3A_144 : memref<112x256xf32, #tpu.memory_space<hbm>>) target_semaphore(%run_scoped3A : memref<!tpu.dma_semaphore, #tpu.memory_space<semaphore_mem>>)
      %dma_wait3A_145 = arith.constant 0 : i32
      %dma_wait3A_146 = tpu.memref_slice %arg4[%mul3A_140, %dma_wait3A_145] : memref<25088x256xf32, #tpu.memory_space<hbm>> -> memref<112x256xf32, #tpu.memory_space<hbm>>
      %dma_wait3A_147 = arith.constant 0 : i32
      %dma_wait3A_148 = tpu.memref_slice %arg4[%mul3A_140, %dma_wait3A_147] : memref<25088x256xf32, #tpu.memory_space<hbm>> -> memref<112x256xf32, #tpu.memory_space<hbm>>
      tpu.wait_dma2 semaphore(%run_scoped3A : memref<!tpu.dma_semaphore, #tpu.memory_space<semaphore_mem>>) src(%arg8 : memref<112x256xf32, #tpu.memory_space<vmem>>) dst(%dma_wait3A_148 : memref<112x256xf32, #tpu.memory_space<hbm>>)
      tpu.yield
    }) : () -> ()
    return
  }
}

module attributes {stable_mosaic.version = 14 : i64} {
  func.func @body(%arg0: i32, %arg1: i32, %arg2: memref<1x1568x48xf32, #tpu.memory_space<vmem>>, %arg3: memref<48x96xf32, #tpu.memory_space<vmem>>, %arg4: memref<1x96xf32, #tpu.memory_space<vmem>>, %arg5: memref<1x1568x96xf32, #tpu.memory_space<vmem>>) attributes {dimension_semantics = [#tpu.dimension_semantics<arbitrary>, #tpu.dimension_semantics<arbitrary>], iteration_bounds = array<i64: 8, 8>, scalar_prefetch = 0 : i64, scratch_operands = 0 : i64, tpu.core_type = #tpu.core_type<tc>, window_params = [{transform_indices = @transform_0, window_bounds = array<i64: 1, 1568, 48>}, {pipeline_mode = #tpu.pipeline_mode<synchronous>, transform_indices = @transform_1, window_bounds = array<i64: 48, 96>}, {pipeline_mode = #tpu.pipeline_mode<synchronous>, transform_indices = @transform_2, window_bounds = array<i64: 1, 96>}, {transform_indices = @transform_3, window_bounds = array<i64: 1, 1568, 96>}]} {
    %get3A = arith.constant 0 : index
    %get3A_0 = arith.constant 0 : index
    %get3A_1 = arith.constant 0 : index
    %get3A_2 = vector.load %arg2[%get3A, %get3A_0, %get3A_1] : memref<1x1568x48xf32, #tpu.memory_space<vmem>>, vector<1x1568x48xf32>
    %get3A_3 = vector.shape_cast %get3A_2 : vector<1x1568x48xf32> to vector<1568x48xf32>
    %get3A_4 = arith.constant 0 : index
    %get3A_5 = arith.constant 0 : index
    %get3A_6 = vector.load %arg3[%get3A_4, %get3A_5] : memref<48x96xf32, #tpu.memory_space<vmem>>, vector<48x96xf32>
    %dot_general3A = arith.constant dense<0.000000e+00> : vector<1568x96xf32>
    %dot_general3A_7 = tpu.matmul %get3A_3, %get3A_6, %dot_general3A {dimension_numbers = #tpu.dot_dimension_numbers<[1], [0], [0], [1], [0, 0, 1, 1], [], []>, transpose_lhs_hint = false} : vector<1568x48xf32>, vector<48x96xf32>, vector<1568x96xf32> -> vector<1568x96xf32>
    %get3A_8 = arith.constant 0 : index
    %get3A_9 = arith.constant 0 : index
    %get3A_10 = vector.load %arg4[%get3A_8, %get3A_9] : memref<1x96xf32, #tpu.memory_space<vmem>>, vector<1x96xf32>
    %add3A = vector.broadcast %get3A_10 : vector<1x96xf32> to vector<1568x96xf32>
    %add3A_11 = arith.addf %dot_general3A_7, %add3A : vector<1568x96xf32>
    %max3A = arith.constant 0.000000e+00 : f32
    %max3A_12 = vector.broadcast %max3A : f32 to vector<1568x96xf32>
    %max3A_13 = arith.maximumf %add3A_11, %max3A_12 : vector<1568x96xf32>
    %swap3A = arith.constant 0 : index
    %swap3A_14 = arith.constant 0 : index
    %swap3A_15 = arith.constant 0 : index
    %swap3A_16 = vector.load %arg5[%swap3A, %swap3A_14, %swap3A_15] : memref<1x1568x96xf32, #tpu.memory_space<vmem>>, vector<1x1568x96xf32>
    %swap3A_17 = vector.shape_cast %swap3A_16 : vector<1x1568x96xf32> to vector<1568x96xf32>
    %swap3A_18 = vector.shape_cast %max3A_13 : vector<1568x96xf32> to vector<1x1568x96xf32>
    tpu.vector_store %arg5[%swap3A, %swap3A_14, %swap3A_15], %swap3A_18 {strides = array<i32>} : memref<1x1568x96xf32, #tpu.memory_space<vmem>>, vector<1x1568x96xf32>,
    return
  }
  func.func @transform_0(%arg0: i32, %arg1: i32) -> (i32, i32, i32) {
    %c0_i32 = arith.constant 0 : i32
    %c0_i32_0 = arith.constant 0 : i32
    return %arg0, %arg1, %c0_i32 : i32, i32, i32
  }
  func.func @transform_1(%arg0: i32, %arg1: i32) -> (i32, i32) {
    %c0_i32 = arith.constant 0 : i32
    %c0_i32_0 = arith.constant 0 : i32
    %c0_i32_1 = arith.constant 0 : i32
    return %c0_i32, %c0_i32_0 : i32, i32
  }
  func.func @transform_2(%arg0: i32, %arg1: i32) -> (i32, i32) {
    %c0_i32 = arith.constant 0 : i32
    %c0_i32_0 = arith.constant 0 : i32
    %c0_i32_1 = arith.constant 0 : i32
    return %c0_i32, %c0_i32_0 : i32, i32
  }
  func.func @transform_3(%arg0: i32, %arg1: i32) -> (i32, i32, i32) {
    %c0_i32 = arith.constant 0 : i32
    %c0_i32_0 = arith.constant 0 : i32
    return %arg0, %arg1, %c0_i32 : i32, i32, i32
  }
}

module attributes {stable_mosaic.version = 14 : i64} {
  func.func @body(%arg0: i32, %arg1: i32, %arg2: memref<1x1568x384xf32, #tpu.memory_space<vmem>>, %arg3: memref<1x1568x384xf32, #tpu.memory_space<vmem>>, %arg4: memref<1x1568x384xf32, #tpu.memory_space<vmem>>, %arg5: memref<1x1568x384xf32, #tpu.memory_space<vmem>>, %arg6: memref<2x2x384x256xf32, #tpu.memory_space<vmem>>, %arg7: memref<1x256xf32, #tpu.memory_space<vmem>>, %arg8: memref<256x1024xf32, #tpu.memory_space<vmem>>, %arg9: memref<1x1024xf32, #tpu.memory_space<vmem>>, %arg10: memref<1x1568x1xi32, #tpu.memory_space<vmem>>) attributes {dimension_semantics = [#tpu.dimension_semantics<arbitrary>, #tpu.dimension_semantics<arbitrary>], iteration_bounds = array<i64: 8, 2>, scalar_prefetch = 0 : i64, scratch_operands = 0 : i64, tpu.core_type = #tpu.core_type<tc>, window_params = [{transform_indices = @transform_0, window_bounds = array<i64: 1, 1568, 384>}, {transform_indices = @transform_1, window_bounds = array<i64: 1, 1568, 384>}, {transform_indices = @transform_2, window_bounds = array<i64: 1, 1568, 384>}, {transform_indices = @transform_3, window_bounds = array<i64: 1, 1568, 384>}, {pipeline_mode = #tpu.pipeline_mode<synchronous>, transform_indices = @transform_4, window_bounds = array<i64: 2, 2, 384, 256>}, {pipeline_mode = #tpu.pipeline_mode<synchronous>, transform_indices = @transform_5, window_bounds = array<i64: 1, 256>}, {pipeline_mode = #tpu.pipeline_mode<synchronous>, transform_indices = @transform_6, window_bounds = array<i64: 256, 1024>}, {pipeline_mode = #tpu.pipeline_mode<synchronous>, transform_indices = @transform_7, window_bounds = array<i64: 1, 1024>}, {transform_indices = @transform_8, window_bounds = array<i64: 1, 1568, 1>}]} {
    %get3A = arith.constant 0 : index
    %get3A_0 = arith.constant 0 : index
    %get3A_1 = arith.constant 0 : index
    %get3A_2 = vector.load %arg2[%get3A, %get3A_0, %get3A_1] : memref<1x1568x384xf32, #tpu.memory_space<vmem>>, vector<1x1568x384xf32>
    %get3A_3 = vector.shape_cast %get3A_2 : vector<1x1568x384xf32> to vector<1568x384xf32>
    %get3A_4 = arith.constant 0 : index
    %get3A_5 = arith.constant 0 : index
    %get3A_6 = arith.constant 0 : index
    %get3A_7 = arith.constant 0 : index
    %get3A_8 = vector.load %arg6[%get3A_4, %get3A_5, %get3A_6, %get3A_7] : memref<2x2x384x256xf32, #tpu.memory_space<vmem>>, vector<1x1x384x256xf32>
    %get3A_9 = vector.shape_cast %get3A_8 : vector<1x1x384x256xf32> to vector<384x256xf32>
    %dot_general3A = arith.constant dense<0.000000e+00> : vector<1568x256xf32>
    %dot_general3A_10 = tpu.matmul %get3A_3, %get3A_9, %dot_general3A {dimension_numbers = #tpu.dot_dimension_numbers<[1], [0], [0], [1], [0, 0, 1, 1], [], []>, transpose_lhs_hint = false} : vector<1568x384xf32>, vector<384x256xf32>, vector<1568x256xf32> -> vector<1568x256xf32>
    %get3A_11 = arith.constant 0 : index
    %get3A_12 = arith.constant 0 : index
    %get3A_13 = arith.constant 0 : index
    %get3A_14 = vector.load %arg3[%get3A_11, %get3A_12, %get3A_13] : memref<1x1568x384xf32, #tpu.memory_space<vmem>>, vector<1x1568x384xf32>
    %get3A_15 = vector.shape_cast %get3A_14 : vector<1x1568x384xf32> to vector<1568x384xf32>
    %get3A_16 = arith.constant 0 : index
    %get3A_17 = arith.constant 1 : index
    %get3A_18 = arith.constant 0 : index
    %get3A_19 = arith.constant 0 : index
    %get3A_20 = vector.load %arg6[%get3A_16, %get3A_17, %get3A_18, %get3A_19] : memref<2x2x384x256xf32, #tpu.memory_space<vmem>>, vector<1x1x384x256xf32>
    %get3A_21 = vector.shape_cast %get3A_20 : vector<1x1x384x256xf32> to vector<384x256xf32>
    %dot_general3A_22 = arith.constant dense<0.000000e+00> : vector<1568x256xf32>
    %dot_general3A_23 = tpu.matmul %get3A_15, %get3A_21, %dot_general3A_22 {dimension_numbers = #tpu.dot_dimension_numbers<[1], [0], [0], [1], [0, 0, 1, 1], [], []>, transpose_lhs_hint = false} : vector<1568x384xf32>, vector<384x256xf32>, vector<1568x256xf32> -> vector<1568x256xf32>
    %add3A = arith.addf %dot_general3A_10, %dot_general3A_23 : vector<1568x256xf32>
    %get3A_24 = arith.constant 0 : index
    %get3A_25 = arith.constant 0 : index
    %get3A_26 = arith.constant 0 : index
    %get3A_27 = vector.load %arg4[%get3A_24, %get3A_25, %get3A_26] : memref<1x1568x384xf32, #tpu.memory_space<vmem>>, vector<1x1568x384xf32>
    %get3A_28 = vector.shape_cast %get3A_27 : vector<1x1568x384xf32> to vector<1568x384xf32>
    %get3A_29 = arith.constant 1 : index
    %get3A_30 = arith.constant 0 : index
    %get3A_31 = arith.constant 0 : index
    %get3A_32 = arith.constant 0 : index
    %get3A_33 = vector.load %arg6[%get3A_29, %get3A_30, %get3A_31, %get3A_32] : memref<2x2x384x256xf32, #tpu.memory_space<vmem>>, vector<1x1x384x256xf32>
    %get3A_34 = vector.shape_cast %get3A_33 : vector<1x1x384x256xf32> to vector<384x256xf32>
    %dot_general3A_35 = arith.constant dense<0.000000e+00> : vector<1568x256xf32>
    %dot_general3A_36 = tpu.matmul %get3A_28, %get3A_34, %dot_general3A_35 {dimension_numbers = #tpu.dot_dimension_numbers<[1], [0], [0], [1], [0, 0, 1, 1], [], []>, transpose_lhs_hint = false} : vector<1568x384xf32>, vector<384x256xf32>, vector<1568x256xf32> -> vector<1568x256xf32>
    %add3A_37 = arith.addf %add3A, %dot_general3A_36 : vector<1568x256xf32>
    %get3A_38 = arith.constant 0 : index
    %get3A_39 = arith.constant 0 : index
    %get3A_40 = arith.constant 0 : index
    %get3A_41 = vector.load %arg5[%get3A_38, %get3A_39, %get3A_40] : memref<1x1568x384xf32, #tpu.memory_space<vmem>>, vector<1x1568x384xf32>
    %get3A_42 = vector.shape_cast %get3A_41 : vector<1x1568x384xf32> to vector<1568x384xf32>
    %get3A_43 = arith.constant 1 : index
    %get3A_44 = arith.constant 1 : index
    %get3A_45 = arith.constant 0 : index
    %get3A_46 = arith.constant 0 : index
    %get3A_47 = vector.load %arg6[%get3A_43, %get3A_44, %get3A_45, %get3A_46] : memref<2x2x384x256xf32, #tpu.memory_space<vmem>>, vector<1x1x384x256xf32>
    %get3A_48 = vector.shape_cast %get3A_47 : vector<1x1x384x256xf32> to vector<384x256xf32>
    %dot_general3A_49 = arith.constant dense<0.000000e+00> : vector<1568x256xf32>
    %dot_general3A_50 = tpu.matmul %get3A_42, %get3A_48, %dot_general3A_49 {dimension_numbers = #tpu.dot_dimension_numbers<[1], [0], [0], [1], [0, 0, 1, 1], [], []>, transpose_lhs_hint = false} : vector<1568x384xf32>, vector<384x256xf32>, vector<1568x256xf32> -> vector<1568x256xf32>
    %add3A_51 = arith.addf %add3A_37, %dot_general3A_50 : vector<1568x256xf32>
    %get3A_52 = arith.constant 0 : index
    %get3A_53 = arith.constant 0 : index
    %get3A_54 = vector.load %arg7[%get3A_52, %get3A_53] : memref<1x256xf32, #tpu.memory_space<vmem>>, vector<1x256xf32>
    %add3A_55 = vector.broadcast %get3A_54 : vector<1x256xf32> to vector<1568x256xf32>
    %add3A_56 = arith.addf %add3A_51, %add3A_55 : vector<1568x256xf32>
    %get3A_57 = arith.constant 0 : index
    %get3A_58 = arith.constant 0 : index
    %get3A_59 = vector.load %arg8[%get3A_57, %get3A_58] : memref<256x1024xf32, #tpu.memory_space<vmem>>, vector<256x1024xf32>
    %dot_general3A_60 = arith.constant dense<0.000000e+00> : vector<1568x1024xf32>
    %dot_general3A_61 = tpu.matmul %add3A_56, %get3A_59, %dot_general3A_60 {dimension_numbers = #tpu.dot_dimension_numbers<[1], [0], [0], [1], [0, 0, 1, 1], [], []>, transpose_lhs_hint = false} : vector<1568x256xf32>, vector<256x1024xf32>, vector<1568x1024xf32> -> vector<1568x1024xf32>
    %mul3A = arith.mulf %add3A_56, %add3A_56 : vector<1568x256xf32>
    %reduce_sum3A = arith.constant dense<0.000000e+00> : vector<1568xf32>
    %reduce_sum3A_62 = vector.multi_reduction <add>, %mul3A, %reduce_sum3A [1] : vector<1568x256xf32> to vector<1568xf32>
    %broadcast_in_dim3A = vector.shape_cast %reduce_sum3A_62 : vector<1568xf32> to vector<1568x1xf32>
    %mul3A_63 = arith.constant 2.000000e+00 : f32
    %mul3A_64 = vector.broadcast %mul3A_63 : f32 to vector<1568x1024xf32>
    %mul3A_65 = arith.mulf %mul3A_64, %dot_general3A_61 : vector<1568x1024xf32>
    %sub3A = vector.broadcast %broadcast_in_dim3A : vector<1568x1xf32> to vector<1568x1024xf32>
    %sub3A_66 = arith.subf %sub3A, %mul3A_65 : vector<1568x1024xf32>
    %get3A_67 = arith.constant 0 : index
    %get3A_68 = arith.constant 0 : index
    %get3A_69 = vector.load %arg9[%get3A_67, %get3A_68] : memref<1x1024xf32, #tpu.memory_space<vmem>>, vector<1x1024xf32>
    %add3A_70 = vector.broadcast %get3A_69 : vector<1x1024xf32> to vector<1568x1024xf32>
    %add3A_71 = arith.addf %sub3A_66, %add3A_70 : vector<1568x1024xf32>
    %reduce_min3A = arith.constant dense<0x7F800000> : vector<1568xf32>
    %reduce_min3A_72 = vector.multi_reduction <minimumf>, %add3A_71, %reduce_min3A [1] : vector<1568x1024xf32> to vector<1568xf32>
    %broadcast_in_dim3A_73 = vector.shape_cast %reduce_min3A_72 : vector<1568xf32> to vector<1568x1xf32>
    %iota3A = tpu.iota {dimensions = array<i32: 1>} : vector<1568x1024xi32>
    %eq3A = vector.broadcast %broadcast_in_dim3A_73 : vector<1568x1xf32> to vector<1568x1024xf32>
    %eq3A_74 = arith.cmpf oeq, %add3A_71, %eq3A : vector<1568x1024xf32>
    %jit3A = arith.constant 1024 : i32
    %broadcast_in_dim3A_75 = vector.broadcast %jit3A : i32 to vector<1568x1024xi32>
    %select_n3A = arith.select %eq3A_74, %iota3A, %broadcast_in_dim3A_75 : vector<1568x1024xi1>, vector<1568x1024xi32>
    %reduce_min3A_76 = arith.constant dense<2147483647> : vector<1568xi32>
    %reduce_min3A_77 = vector.multi_reduction <minsi>, %select_n3A, %reduce_min3A_76 [1] : vector<1568x1024xi32> to vector<1568xi32>
    %broadcast_in_dim3A_78 = vector.shape_cast %reduce_min3A_77 : vector<1568xi32> to vector<1568x1xi32>
    %swap3A = arith.constant 0 : index
    %swap3A_79 = arith.constant 0 : index
    %swap3A_80 = arith.constant 0 : index
    %swap3A_81 = vector.load %arg10[%swap3A, %swap3A_79, %swap3A_80] : memref<1x1568x1xi32, #tpu.memory_space<vmem>>, vector<1x1568x1xi32>
    %swap3A_82 = vector.shape_cast %swap3A_81 : vector<1x1568x1xi32> to vector<1568x1xi32>
    %swap3A_83 = vector.shape_cast %broadcast_in_dim3A_78 : vector<1568x1xi32> to vector<1x1568x1xi32>
    tpu.vector_store %arg10[%swap3A, %swap3A_79, %swap3A_80], %swap3A_83 {strides = array<i32>} : memref<1x1568x1xi32, #tpu.memory_space<vmem>>, vector<1x1568x1xi32>,
    return
  }
  func.func @transform_0(%arg0: i32, %arg1: i32) -> (i32, i32, i32) {
    %c0_i32 = arith.constant 0 : i32
    %c0_i32_0 = arith.constant 0 : i32
    return %arg0, %arg1, %c0_i32 : i32, i32, i32
  }
  func.func @transform_1(%arg0: i32, %arg1: i32) -> (i32, i32, i32) {
    %c0_i32 = arith.constant 0 : i32
    %c0_i32_0 = arith.constant 0 : i32
    return %arg0, %arg1, %c0_i32 : i32, i32, i32
  }
  func.func @transform_2(%arg0: i32, %arg1: i32) -> (i32, i32, i32) {
    %c0_i32 = arith.constant 0 : i32
    %c0_i32_0 = arith.constant 0 : i32
    return %arg0, %arg1, %c0_i32 : i32, i32, i32
  }
  func.func @transform_3(%arg0: i32, %arg1: i32) -> (i32, i32, i32) {
    %c0_i32 = arith.constant 0 : i32
    %c0_i32_0 = arith.constant 0 : i32
    return %arg0, %arg1, %c0_i32 : i32, i32, i32
  }
  func.func @transform_4(%arg0: i32, %arg1: i32) -> (i32, i32, i32, i32) {
    %c0_i32 = arith.constant 0 : i32
    %c0_i32_0 = arith.constant 0 : i32
    %c0_i32_1 = arith.constant 0 : i32
    %c0_i32_2 = arith.constant 0 : i32
    %c0_i32_3 = arith.constant 0 : i32
    return %c0_i32, %c0_i32_0, %c0_i32_1, %c0_i32_2 : i32, i32, i32, i32
  }
  func.func @transform_5(%arg0: i32, %arg1: i32) -> (i32, i32) {
    %c0_i32 = arith.constant 0 : i32
    %c0_i32_0 = arith.constant 0 : i32
    %c0_i32_1 = arith.constant 0 : i32
    return %c0_i32, %c0_i32_0 : i32, i32
  }
  func.func @transform_6(%arg0: i32, %arg1: i32) -> (i32, i32) {
    %c0_i32 = arith.constant 0 : i32
    %c0_i32_0 = arith.constant 0 : i32
    %c0_i32_1 = arith.constant 0 : i32
    return %c0_i32, %c0_i32_0 : i32, i32
  }
  func.func @transform_7(%arg0: i32, %arg1: i32) -> (i32, i32) {
    %c0_i32 = arith.constant 0 : i32
    %c0_i32_0 = arith.constant 0 : i32
    %c0_i32_1 = arith.constant 0 : i32
    return %c0_i32, %c0_i32_0 : i32, i32
  }
  func.func @transform_8(%arg0: i32, %arg1: i32) -> (i32, i32, i32) {
    %c0_i32 = arith.constant 0 : i32
    %c0_i32_0 = arith.constant 0 : i32
    return %arg0, %arg1, %c0_i32 : i32, i32, i32
  }
}

module attributes {stable_mosaic.version = 14 : i64} {
  func.func @body(%arg0: i32, %arg1: i32, %arg2: memref<1x1568x256xbf16, #tpu.memory_space<vmem>>, %arg3: memref<1x1568x256xbf16, #tpu.memory_space<vmem>>, %arg4: memref<1x1568x256xbf16, #tpu.memory_space<vmem>>, %arg5: memref<1x1568x256xbf16, #tpu.memory_space<vmem>>, %arg6: memref<1x1568x256xbf16, #tpu.memory_space<vmem>>, %arg7: memref<1x1568x256xbf16, #tpu.memory_space<vmem>>, %arg8: memref<1x1568x256xbf16, #tpu.memory_space<vmem>>, %arg9: memref<1x1568x256xbf16, #tpu.memory_space<vmem>>, %arg10: memref<1x1568x256xbf16, #tpu.memory_space<vmem>>, %arg11: memref<3x3x256x384xbf16, #tpu.memory_space<vmem>>, %arg12: memref<1x384xf32, #tpu.memory_space<vmem>>, %arg13: memref<1x1568x384xbf16, #tpu.memory_space<vmem>>) attributes {dimension_semantics = [#tpu.dimension_semantics<arbitrary>, #tpu.dimension_semantics<arbitrary>], iteration_bounds = array<i64: 8, 2>, scalar_prefetch = 0 : i64, scratch_operands = 0 : i64, tpu.core_type = #tpu.core_type<tc>, window_params = [{transform_indices = @transform_0, window_bounds = array<i64: 1, 1568, 256>}, {transform_indices = @transform_1, window_bounds = array<i64: 1, 1568, 256>}, {transform_indices = @transform_2, window_bounds = array<i64: 1, 1568, 256>}, {transform_indices = @transform_3, window_bounds = array<i64: 1, 1568, 256>}, {transform_indices = @transform_4, window_bounds = array<i64: 1, 1568, 256>}, {transform_indices = @transform_5, window_bounds = array<i64: 1, 1568, 256>}, {transform_indices = @transform_6, window_bounds = array<i64: 1, 1568, 256>}, {transform_indices = @transform_7, window_bounds = array<i64: 1, 1568, 256>}, {transform_indices = @transform_8, window_bounds = array<i64: 1, 1568, 256>}, {pipeline_mode = #tpu.pipeline_mode<synchronous>, transform_indices = @transform_9, window_bounds = array<i64: 3, 3, 256, 384>}, {pipeline_mode = #tpu.pipeline_mode<synchronous>, transform_indices = @transform_10, window_bounds = array<i64: 1, 384>}, {transform_indices = @transform_11, window_bounds = array<i64: 1, 1568, 384>}]} {
    %broadcast_in_dim3A = arith.constant 0.000000e+00 : f32
    %broadcast_in_dim3A_0 = vector.broadcast %broadcast_in_dim3A : f32 to vector<1568x384xf32>
    %get3A = arith.constant 0 : index
    %get3A_1 = arith.constant 0 : index
    %get3A_2 = arith.constant 0 : index
    %get3A_3 = vector.load %arg2[%get3A, %get3A_1, %get3A_2] : memref<1x1568x256xbf16, #tpu.memory_space<vmem>>, vector<1x1568x256xbf16>
    %get3A_4 = vector.shape_cast %get3A_3 : vector<1x1568x256xbf16> to vector<1568x256xbf16>
    %get3A_5 = arith.constant 0 : index
    %get3A_6 = arith.constant 0 : index
    %get3A_7 = arith.constant 0 : index
    %get3A_8 = arith.constant 0 : index
    %get3A_9 = vector.load %arg11[%get3A_5, %get3A_6, %get3A_7, %get3A_8] : memref<3x3x256x384xbf16, #tpu.memory_space<vmem>>, vector<1x1x256x384xbf16>
    %get3A_10 = vector.shape_cast %get3A_9 : vector<1x1x256x384xbf16> to vector<256x384xbf16>
    %dot_general3A = arith.constant dense<0.000000e+00> : vector<1568x384xf32>
    %dot_general3A_11 = tpu.matmul %get3A_4, %get3A_10, %dot_general3A {dimension_numbers = #tpu.dot_dimension_numbers<[1], [0], [0], [1], [0, 0, 1, 1], [], []>, transpose_lhs_hint = false} : vector<1568x256xbf16>, vector<256x384xbf16>, vector<1568x384xf32> -> vector<1568x384xf32>
    %add3A = arith.addf %broadcast_in_dim3A_0, %dot_general3A_11 : vector<1568x384xf32>
    %get3A_12 = arith.constant 0 : index
    %get3A_13 = arith.constant 0 : index
    %get3A_14 = arith.constant 0 : index
    %get3A_15 = vector.load %arg3[%get3A_12, %get3A_13, %get3A_14] : memref<1x1568x256xbf16, #tpu.memory_space<vmem>>, vector<1x1568x256xbf16>
    %get3A_16 = vector.shape_cast %get3A_15 : vector<1x1568x256xbf16> to vector<1568x256xbf16>
    %get3A_17 = arith.constant 0 : index
    %get3A_18 = arith.constant 1 : index
    %get3A_19 = arith.constant 0 : index
    %get3A_20 = arith.constant 0 : index
    %get3A_21 = vector.load %arg11[%get3A_17, %get3A_18, %get3A_19, %get3A_20] : memref<3x3x256x384xbf16, #tpu.memory_space<vmem>>, vector<1x1x256x384xbf16>
    %get3A_22 = vector.shape_cast %get3A_21 : vector<1x1x256x384xbf16> to vector<256x384xbf16>
    %dot_general3A_23 = arith.constant dense<0.000000e+00> : vector<1568x384xf32>
    %dot_general3A_24 = tpu.matmul %get3A_16, %get3A_22, %dot_general3A_23 {dimension_numbers = #tpu.dot_dimension_numbers<[1], [0], [0], [1], [0, 0, 1, 1], [], []>, transpose_lhs_hint = false} : vector<1568x256xbf16>, vector<256x384xbf16>, vector<1568x384xf32> -> vector<1568x384xf32>
    %add3A_25 = arith.addf %add3A, %dot_general3A_24 : vector<1568x384xf32>
    %get3A_26 = arith.constant 0 : index
    %get3A_27 = arith.constant 0 : index
    %get3A_28 = arith.constant 0 : index
    %get3A_29 = vector.load %arg4[%get3A_26, %get3A_27, %get3A_28] : memref<1x1568x256xbf16, #tpu.memory_space<vmem>>, vector<1x1568x256xbf16>
    %get3A_30 = vector.shape_cast %get3A_29 : vector<1x1568x256xbf16> to vector<1568x256xbf16>
    %get3A_31 = arith.constant 0 : index
    %get3A_32 = arith.constant 2 : index
    %get3A_33 = arith.constant 0 : index
    %get3A_34 = arith.constant 0 : index
    %get3A_35 = vector.load %arg11[%get3A_31, %get3A_32, %get3A_33, %get3A_34] : memref<3x3x256x384xbf16, #tpu.memory_space<vmem>>, vector<1x1x256x384xbf16>
    %get3A_36 = vector.shape_cast %get3A_35 : vector<1x1x256x384xbf16> to vector<256x384xbf16>
    %dot_general3A_37 = arith.constant dense<0.000000e+00> : vector<1568x384xf32>
    %dot_general3A_38 = tpu.matmul %get3A_30, %get3A_36, %dot_general3A_37 {dimension_numbers = #tpu.dot_dimension_numbers<[1], [0], [0], [1], [0, 0, 1, 1], [], []>, transpose_lhs_hint = false} : vector<1568x256xbf16>, vector<256x384xbf16>, vector<1568x384xf32> -> vector<1568x384xf32>
    %add3A_39 = arith.addf %add3A_25, %dot_general3A_38 : vector<1568x384xf32>
    %get3A_40 = arith.constant 0 : index
    %get3A_41 = arith.constant 0 : index
    %get3A_42 = arith.constant 0 : index
    %get3A_43 = vector.load %arg5[%get3A_40, %get3A_41, %get3A_42] : memref<1x1568x256xbf16, #tpu.memory_space<vmem>>, vector<1x1568x256xbf16>
    %get3A_44 = vector.shape_cast %get3A_43 : vector<1x1568x256xbf16> to vector<1568x256xbf16>
    %get3A_45 = arith.constant 1 : index
    %get3A_46 = arith.constant 0 : index
    %get3A_47 = arith.constant 0 : index
    %get3A_48 = arith.constant 0 : index
    %get3A_49 = vector.load %arg11[%get3A_45, %get3A_46, %get3A_47, %get3A_48] : memref<3x3x256x384xbf16, #tpu.memory_space<vmem>>, vector<1x1x256x384xbf16>
    %get3A_50 = vector.shape_cast %get3A_49 : vector<1x1x256x384xbf16> to vector<256x384xbf16>
    %dot_general3A_51 = arith.constant dense<0.000000e+00> : vector<1568x384xf32>
    %dot_general3A_52 = tpu.matmul %get3A_44, %get3A_50, %dot_general3A_51 {dimension_numbers = #tpu.dot_dimension_numbers<[1], [0], [0], [1], [0, 0, 1, 1], [], []>, transpose_lhs_hint = false} : vector<1568x256xbf16>, vector<256x384xbf16>, vector<1568x384xf32> -> vector<1568x384xf32>
    %add3A_53 = arith.addf %add3A_39, %dot_general3A_52 : vector<1568x384xf32>
    %get3A_54 = arith.constant 0 : index
    %get3A_55 = arith.constant 0 : index
    %get3A_56 = arith.constant 0 : index
    %get3A_57 = vector.load %arg6[%get3A_54, %get3A_55, %get3A_56] : memref<1x1568x256xbf16, #tpu.memory_space<vmem>>, vector<1x1568x256xbf16>
    %get3A_58 = vector.shape_cast %get3A_57 : vector<1x1568x256xbf16> to vector<1568x256xbf16>
    %get3A_59 = arith.constant 1 : index
    %get3A_60 = arith.constant 1 : index
    %get3A_61 = arith.constant 0 : index
    %get3A_62 = arith.constant 0 : index
    %get3A_63 = vector.load %arg11[%get3A_59, %get3A_60, %get3A_61, %get3A_62] : memref<3x3x256x384xbf16, #tpu.memory_space<vmem>>, vector<1x1x256x384xbf16>
    %get3A_64 = vector.shape_cast %get3A_63 : vector<1x1x256x384xbf16> to vector<256x384xbf16>
    %dot_general3A_65 = arith.constant dense<0.000000e+00> : vector<1568x384xf32>
    %dot_general3A_66 = tpu.matmul %get3A_58, %get3A_64, %dot_general3A_65 {dimension_numbers = #tpu.dot_dimension_numbers<[1], [0], [0], [1], [0, 0, 1, 1], [], []>, transpose_lhs_hint = false} : vector<1568x256xbf16>, vector<256x384xbf16>, vector<1568x384xf32> -> vector<1568x384xf32>
    %add3A_67 = arith.addf %add3A_53, %dot_general3A_66 : vector<1568x384xf32>
    %get3A_68 = arith.constant 0 : index
    %get3A_69 = arith.constant 0 : index
    %get3A_70 = arith.constant 0 : index
    %get3A_71 = vector.load %arg7[%get3A_68, %get3A_69, %get3A_70] : memref<1x1568x256xbf16, #tpu.memory_space<vmem>>, vector<1x1568x256xbf16>
    %get3A_72 = vector.shape_cast %get3A_71 : vector<1x1568x256xbf16> to vector<1568x256xbf16>
    %get3A_73 = arith.constant 1 : index
    %get3A_74 = arith.constant 2 : index
    %get3A_75 = arith.constant 0 : index
    %get3A_76 = arith.constant 0 : index
    %get3A_77 = vector.load %arg11[%get3A_73, %get3A_74, %get3A_75, %get3A_76] : memref<3x3x256x384xbf16, #tpu.memory_space<vmem>>, vector<1x1x256x384xbf16>
    %get3A_78 = vector.shape_cast %get3A_77 : vector<1x1x256x384xbf16> to vector<256x384xbf16>
    %dot_general3A_79 = arith.constant dense<0.000000e+00> : vector<1568x384xf32>
    %dot_general3A_80 = tpu.matmul %get3A_72, %get3A_78, %dot_general3A_79 {dimension_numbers = #tpu.dot_dimension_numbers<[1], [0], [0], [1], [0, 0, 1, 1], [], []>, transpose_lhs_hint = false} : vector<1568x256xbf16>, vector<256x384xbf16>, vector<1568x384xf32> -> vector<1568x384xf32>
    %add3A_81 = arith.addf %add3A_67, %dot_general3A_80 : vector<1568x384xf32>
    %get3A_82 = arith.constant 0 : index
    %get3A_83 = arith.constant 0 : index
    %get3A_84 = arith.constant 0 : index
    %get3A_85 = vector.load %arg8[%get3A_82, %get3A_83, %get3A_84] : memref<1x1568x256xbf16, #tpu.memory_space<vmem>>, vector<1x1568x256xbf16>
    %get3A_86 = vector.shape_cast %get3A_85 : vector<1x1568x256xbf16> to vector<1568x256xbf16>
    %get3A_87 = arith.constant 2 : index
    %get3A_88 = arith.constant 0 : index
    %get3A_89 = arith.constant 0 : index
    %get3A_90 = arith.constant 0 : index
    %get3A_91 = vector.load %arg11[%get3A_87, %get3A_88, %get3A_89, %get3A_90] : memref<3x3x256x384xbf16, #tpu.memory_space<vmem>>, vector<1x1x256x384xbf16>
    %get3A_92 = vector.shape_cast %get3A_91 : vector<1x1x256x384xbf16> to vector<256x384xbf16>
    %dot_general3A_93 = arith.constant dense<0.000000e+00> : vector<1568x384xf32>
    %dot_general3A_94 = tpu.matmul %get3A_86, %get3A_92, %dot_general3A_93 {dimension_numbers = #tpu.dot_dimension_numbers<[1], [0], [0], [1], [0, 0, 1, 1], [], []>, transpose_lhs_hint = false} : vector<1568x256xbf16>, vector<256x384xbf16>, vector<1568x384xf32> -> vector<1568x384xf32>
    %add3A_95 = arith.addf %add3A_81, %dot_general3A_94 : vector<1568x384xf32>
    %get3A_96 = arith.constant 0 : index
    %get3A_97 = arith.constant 0 : index
    %get3A_98 = arith.constant 0 : index
    %get3A_99 = vector.load %arg9[%get3A_96, %get3A_97, %get3A_98] : memref<1x1568x256xbf16, #tpu.memory_space<vmem>>, vector<1x1568x256xbf16>
    %get3A_100 = vector.shape_cast %get3A_99 : vector<1x1568x256xbf16> to vector<1568x256xbf16>
    %get3A_101 = arith.constant 2 : index
    %get3A_102 = arith.constant 1 : index
    %get3A_103 = arith.constant 0 : index
    %get3A_104 = arith.constant 0 : index
    %get3A_105 = vector.load %arg11[%get3A_101, %get3A_102, %get3A_103, %get3A_104] : memref<3x3x256x384xbf16, #tpu.memory_space<vmem>>, vector<1x1x256x384xbf16>
    %get3A_106 = vector.shape_cast %get3A_105 : vector<1x1x256x384xbf16> to vector<256x384xbf16>
    %dot_general3A_107 = arith.constant dense<0.000000e+00> : vector<1568x384xf32>
    %dot_general3A_108 = tpu.matmul %get3A_100, %get3A_106, %dot_general3A_107 {dimension_numbers = #tpu.dot_dimension_numbers<[1], [0], [0], [1], [0, 0, 1, 1], [], []>, transpose_lhs_hint = false} : vector<1568x256xbf16>, vector<256x384xbf16>, vector<1568x384xf32> -> vector<1568x384xf32>
    %add3A_109 = arith.addf %add3A_95, %dot_general3A_108 : vector<1568x384xf32>
    %get3A_110 = arith.constant 0 : index
    %get3A_111 = arith.constant 0 : index
    %get3A_112 = arith.constant 0 : index
    %get3A_113 = vector.load %arg10[%get3A_110, %get3A_111, %get3A_112] : memref<1x1568x256xbf16, #tpu.memory_space<vmem>>, vector<1x1568x256xbf16>
    %get3A_114 = vector.shape_cast %get3A_113 : vector<1x1568x256xbf16> to vector<1568x256xbf16>
    %get3A_115 = arith.constant 2 : index
    %get3A_116 = arith.constant 2 : index
    %get3A_117 = arith.constant 0 : index
    %get3A_118 = arith.constant 0 : index
    %get3A_119 = vector.load %arg11[%get3A_115, %get3A_116, %get3A_117, %get3A_118] : memref<3x3x256x384xbf16, #tpu.memory_space<vmem>>, vector<1x1x256x384xbf16>
    %get3A_120 = vector.shape_cast %get3A_119 : vector<1x1x256x384xbf16> to vector<256x384xbf16>
    %dot_general3A_121 = arith.constant dense<0.000000e+00> : vector<1568x384xf32>
    %dot_general3A_122 = tpu.matmul %get3A_114, %get3A_120, %dot_general3A_121 {dimension_numbers = #tpu.dot_dimension_numbers<[1], [0], [0], [1], [0, 0, 1, 1], [], []>, transpose_lhs_hint = false} : vector<1568x256xbf16>, vector<256x384xbf16>, vector<1568x384xf32> -> vector<1568x384xf32>
    %add3A_123 = arith.addf %add3A_109, %dot_general3A_122 : vector<1568x384xf32>
    %get3A_124 = arith.constant 0 : index
    %get3A_125 = arith.constant 0 : index
    %get3A_126 = vector.load %arg12[%get3A_124, %get3A_125] : memref<1x384xf32, #tpu.memory_space<vmem>>, vector<1x384xf32>
    %add3A_127 = vector.broadcast %get3A_126 : vector<1x384xf32> to vector<1568x384xf32>
    %add3A_128 = arith.addf %add3A_123, %add3A_127 : vector<1568x384xf32>
    %max3A = arith.constant 0.000000e+00 : f32
    %max3A_129 = vector.broadcast %max3A : f32 to vector<1568x384xf32>
    %max3A_130 = arith.maximumf %add3A_128, %max3A_129 : vector<1568x384xf32>
    %convert_element_type3A = arith.truncf %max3A_130 : vector<1568x384xf32> to vector<1568x384xbf16>
    %swap3A = arith.constant 0 : index
    %swap3A_131 = arith.constant 0 : index
    %swap3A_132 = arith.constant 0 : index
    %swap3A_133 = vector.load %arg13[%swap3A, %swap3A_131, %swap3A_132] : memref<1x1568x384xbf16, #tpu.memory_space<vmem>>, vector<1x1568x384xbf16>
    %swap3A_134 = vector.shape_cast %swap3A_133 : vector<1x1568x384xbf16> to vector<1568x384xbf16>
    %swap3A_135 = vector.shape_cast %convert_element_type3A : vector<1568x384xbf16> to vector<1x1568x384xbf16>
    tpu.vector_store %arg13[%swap3A, %swap3A_131, %swap3A_132], %swap3A_135 {strides = array<i32>} : memref<1x1568x384xbf16, #tpu.memory_space<vmem>>, vector<1x1568x384xbf16>,
    return
  }
  func.func @transform_0(%arg0: i32, %arg1: i32) -> (i32, i32, i32) {
    %c0_i32 = arith.constant 0 : i32
    %c0_i32_0 = arith.constant 0 : i32
    return %arg0, %arg1, %c0_i32 : i32, i32, i32
  }
  func.func @transform_1(%arg0: i32, %arg1: i32) -> (i32, i32, i32) {
    %c0_i32 = arith.constant 0 : i32
    %c0_i32_0 = arith.constant 0 : i32
    return %arg0, %arg1, %c0_i32 : i32, i32, i32
  }
  func.func @transform_2(%arg0: i32, %arg1: i32) -> (i32, i32, i32) {
    %c0_i32 = arith.constant 0 : i32
    %c0_i32_0 = arith.constant 0 : i32
    return %arg0, %arg1, %c0_i32 : i32, i32, i32
  }
  func.func @transform_3(%arg0: i32, %arg1: i32) -> (i32, i32, i32) {
    %c0_i32 = arith.constant 0 : i32
    %c0_i32_0 = arith.constant 0 : i32
    return %arg0, %arg1, %c0_i32 : i32, i32, i32
  }
  func.func @transform_4(%arg0: i32, %arg1: i32) -> (i32, i32, i32) {
    %c0_i32 = arith.constant 0 : i32
    %c0_i32_0 = arith.constant 0 : i32
    return %arg0, %arg1, %c0_i32 : i32, i32, i32
  }
  func.func @transform_5(%arg0: i32, %arg1: i32) -> (i32, i32, i32) {
    %c0_i32 = arith.constant 0 : i32
    %c0_i32_0 = arith.constant 0 : i32
    return %arg0, %arg1, %c0_i32 : i32, i32, i32
  }
  func.func @transform_6(%arg0: i32, %arg1: i32) -> (i32, i32, i32) {
    %c0_i32 = arith.constant 0 : i32
    %c0_i32_0 = arith.constant 0 : i32
    return %arg0, %arg1, %c0_i32 : i32, i32, i32
  }
  func.func @transform_7(%arg0: i32, %arg1: i32) -> (i32, i32, i32) {
    %c0_i32 = arith.constant 0 : i32
    %c0_i32_0 = arith.constant 0 : i32
    return %arg0, %arg1, %c0_i32 : i32, i32, i32
  }
  func.func @transform_8(%arg0: i32, %arg1: i32) -> (i32, i32, i32) {
    %c0_i32 = arith.constant 0 : i32
    %c0_i32_0 = arith.constant 0 : i32
    return %arg0, %arg1, %c0_i32 : i32, i32, i32
  }
  func.func @transform_9(%arg0: i32, %arg1: i32) -> (i32, i32, i32, i32) {
    %c0_i32 = arith.constant 0 : i32
    %c0_i32_0 = arith.constant 0 : i32
    %c0_i32_1 = arith.constant 0 : i32
    %c0_i32_2 = arith.constant 0 : i32
    %c0_i32_3 = arith.constant 0 : i32
    return %c0_i32, %c0_i32_0, %c0_i32_1, %c0_i32_2 : i32, i32, i32, i32
  }
  func.func @transform_10(%arg0: i32, %arg1: i32) -> (i32, i32) {
    %c0_i32 = arith.constant 0 : i32
    %c0_i32_0 = arith.constant 0 : i32
    %c0_i32_1 = arith.constant 0 : i32
    return %c0_i32, %c0_i32_0 : i32, i32
  }
  func.func @transform_11(%arg0: i32, %arg1: i32) -> (i32, i32, i32) {
    %c0_i32 = arith.constant 0 : i32
    %c0_i32_0 = arith.constant 0 : i32
    return %arg0, %arg1, %c0_i32 : i32, i32, i32
  }
}

module attributes {stable_mosaic.version = 14 : i64} {
  func.func @body(%arg0: i32, %arg1: i32, %arg2: memref<1x1568x96xbf16, #tpu.memory_space<vmem>>, %arg3: memref<1x1568x96xbf16, #tpu.memory_space<vmem>>, %arg4: memref<1x1568x96xbf16, #tpu.memory_space<vmem>>, %arg5: memref<1x1568x96xbf16, #tpu.memory_space<vmem>>, %arg6: memref<1x1568x96xbf16, #tpu.memory_space<vmem>>, %arg7: memref<1x1568x96xbf16, #tpu.memory_space<vmem>>, %arg8: memref<1x1568x96xbf16, #tpu.memory_space<vmem>>, %arg9: memref<1x1568x96xbf16, #tpu.memory_space<vmem>>, %arg10: memref<1x1568x96xbf16, #tpu.memory_space<vmem>>, %arg11: memref<3x3x96x12xbf16, #tpu.memory_space<vmem>>, %arg12: memref<1x12xf32, #tpu.memory_space<vmem>>, %arg13: memref<1x1568x12xf32, #tpu.memory_space<vmem>>) attributes {dimension_semantics = [#tpu.dimension_semantics<arbitrary>, #tpu.dimension_semantics<arbitrary>], iteration_bounds = array<i64: 8, 8>, scalar_prefetch = 0 : i64, scratch_operands = 0 : i64, tpu.core_type = #tpu.core_type<tc>, window_params = [{transform_indices = @transform_0, window_bounds = array<i64: 1, 1568, 96>}, {transform_indices = @transform_1, window_bounds = array<i64: 1, 1568, 96>}, {transform_indices = @transform_2, window_bounds = array<i64: 1, 1568, 96>}, {transform_indices = @transform_3, window_bounds = array<i64: 1, 1568, 96>}, {transform_indices = @transform_4, window_bounds = array<i64: 1, 1568, 96>}, {transform_indices = @transform_5, window_bounds = array<i64: 1, 1568, 96>}, {transform_indices = @transform_6, window_bounds = array<i64: 1, 1568, 96>}, {transform_indices = @transform_7, window_bounds = array<i64: 1, 1568, 96>}, {transform_indices = @transform_8, window_bounds = array<i64: 1, 1568, 96>}, {pipeline_mode = #tpu.pipeline_mode<synchronous>, transform_indices = @transform_9, window_bounds = array<i64: 3, 3, 96, 12>}, {pipeline_mode = #tpu.pipeline_mode<synchronous>, transform_indices = @transform_10, window_bounds = array<i64: 1, 12>}, {transform_indices = @transform_11, window_bounds = array<i64: 1, 1568, 12>}]} {
    %broadcast_in_dim3A = arith.constant 0.000000e+00 : f32
    %broadcast_in_dim3A_0 = vector.broadcast %broadcast_in_dim3A : f32 to vector<1568x12xf32>
    %get3A = arith.constant 0 : index
    %get3A_1 = arith.constant 0 : index
    %get3A_2 = arith.constant 0 : index
    %get3A_3 = vector.load %arg2[%get3A, %get3A_1, %get3A_2] : memref<1x1568x96xbf16, #tpu.memory_space<vmem>>, vector<1x1568x96xbf16>
    %get3A_4 = vector.shape_cast %get3A_3 : vector<1x1568x96xbf16> to vector<1568x96xbf16>
    %get3A_5 = arith.constant 0 : index
    %get3A_6 = arith.constant 0 : index
    %get3A_7 = arith.constant 0 : index
    %get3A_8 = arith.constant 0 : index
    %get3A_9 = vector.load %arg11[%get3A_5, %get3A_6, %get3A_7, %get3A_8] : memref<3x3x96x12xbf16, #tpu.memory_space<vmem>>, vector<1x1x96x12xbf16>
    %get3A_10 = vector.shape_cast %get3A_9 : vector<1x1x96x12xbf16> to vector<96x12xbf16>
    %dot_general3A = arith.constant dense<0.000000e+00> : vector<1568x12xf32>
    %dot_general3A_11 = tpu.matmul %get3A_4, %get3A_10, %dot_general3A {dimension_numbers = #tpu.dot_dimension_numbers<[1], [0], [0], [1], [0, 0, 1, 1], [], []>, transpose_lhs_hint = false} : vector<1568x96xbf16>, vector<96x12xbf16>, vector<1568x12xf32> -> vector<1568x12xf32>
    %add3A = arith.addf %broadcast_in_dim3A_0, %dot_general3A_11 : vector<1568x12xf32>
    %get3A_12 = arith.constant 0 : index
    %get3A_13 = arith.constant 0 : index
    %get3A_14 = arith.constant 0 : index
    %get3A_15 = vector.load %arg3[%get3A_12, %get3A_13, %get3A_14] : memref<1x1568x96xbf16, #tpu.memory_space<vmem>>, vector<1x1568x96xbf16>
    %get3A_16 = vector.shape_cast %get3A_15 : vector<1x1568x96xbf16> to vector<1568x96xbf16>
    %get3A_17 = arith.constant 0 : index
    %get3A_18 = arith.constant 1 : index
    %get3A_19 = arith.constant 0 : index
    %get3A_20 = arith.constant 0 : index
    %get3A_21 = vector.load %arg11[%get3A_17, %get3A_18, %get3A_19, %get3A_20] : memref<3x3x96x12xbf16, #tpu.memory_space<vmem>>, vector<1x1x96x12xbf16>
    %get3A_22 = vector.shape_cast %get3A_21 : vector<1x1x96x12xbf16> to vector<96x12xbf16>
    %dot_general3A_23 = arith.constant dense<0.000000e+00> : vector<1568x12xf32>
    %dot_general3A_24 = tpu.matmul %get3A_16, %get3A_22, %dot_general3A_23 {dimension_numbers = #tpu.dot_dimension_numbers<[1], [0], [0], [1], [0, 0, 1, 1], [], []>, transpose_lhs_hint = false} : vector<1568x96xbf16>, vector<96x12xbf16>, vector<1568x12xf32> -> vector<1568x12xf32>
    %add3A_25 = arith.addf %add3A, %dot_general3A_24 : vector<1568x12xf32>
    %get3A_26 = arith.constant 0 : index
    %get3A_27 = arith.constant 0 : index
    %get3A_28 = arith.constant 0 : index
    %get3A_29 = vector.load %arg4[%get3A_26, %get3A_27, %get3A_28] : memref<1x1568x96xbf16, #tpu.memory_space<vmem>>, vector<1x1568x96xbf16>
    %get3A_30 = vector.shape_cast %get3A_29 : vector<1x1568x96xbf16> to vector<1568x96xbf16>
    %get3A_31 = arith.constant 0 : index
    %get3A_32 = arith.constant 2 : index
    %get3A_33 = arith.constant 0 : index
    %get3A_34 = arith.constant 0 : index
    %get3A_35 = vector.load %arg11[%get3A_31, %get3A_32, %get3A_33, %get3A_34] : memref<3x3x96x12xbf16, #tpu.memory_space<vmem>>, vector<1x1x96x12xbf16>
    %get3A_36 = vector.shape_cast %get3A_35 : vector<1x1x96x12xbf16> to vector<96x12xbf16>
    %dot_general3A_37 = arith.constant dense<0.000000e+00> : vector<1568x12xf32>
    %dot_general3A_38 = tpu.matmul %get3A_30, %get3A_36, %dot_general3A_37 {dimension_numbers = #tpu.dot_dimension_numbers<[1], [0], [0], [1], [0, 0, 1, 1], [], []>, transpose_lhs_hint = false} : vector<1568x96xbf16>, vector<96x12xbf16>, vector<1568x12xf32> -> vector<1568x12xf32>
    %add3A_39 = arith.addf %add3A_25, %dot_general3A_38 : vector<1568x12xf32>
    %get3A_40 = arith.constant 0 : index
    %get3A_41 = arith.constant 0 : index
    %get3A_42 = arith.constant 0 : index
    %get3A_43 = vector.load %arg5[%get3A_40, %get3A_41, %get3A_42] : memref<1x1568x96xbf16, #tpu.memory_space<vmem>>, vector<1x1568x96xbf16>
    %get3A_44 = vector.shape_cast %get3A_43 : vector<1x1568x96xbf16> to vector<1568x96xbf16>
    %get3A_45 = arith.constant 1 : index
    %get3A_46 = arith.constant 0 : index
    %get3A_47 = arith.constant 0 : index
    %get3A_48 = arith.constant 0 : index
    %get3A_49 = vector.load %arg11[%get3A_45, %get3A_46, %get3A_47, %get3A_48] : memref<3x3x96x12xbf16, #tpu.memory_space<vmem>>, vector<1x1x96x12xbf16>
    %get3A_50 = vector.shape_cast %get3A_49 : vector<1x1x96x12xbf16> to vector<96x12xbf16>
    %dot_general3A_51 = arith.constant dense<0.000000e+00> : vector<1568x12xf32>
    %dot_general3A_52 = tpu.matmul %get3A_44, %get3A_50, %dot_general3A_51 {dimension_numbers = #tpu.dot_dimension_numbers<[1], [0], [0], [1], [0, 0, 1, 1], [], []>, transpose_lhs_hint = false} : vector<1568x96xbf16>, vector<96x12xbf16>, vector<1568x12xf32> -> vector<1568x12xf32>
    %add3A_53 = arith.addf %add3A_39, %dot_general3A_52 : vector<1568x12xf32>
    %get3A_54 = arith.constant 0 : index
    %get3A_55 = arith.constant 0 : index
    %get3A_56 = arith.constant 0 : index
    %get3A_57 = vector.load %arg6[%get3A_54, %get3A_55, %get3A_56] : memref<1x1568x96xbf16, #tpu.memory_space<vmem>>, vector<1x1568x96xbf16>
    %get3A_58 = vector.shape_cast %get3A_57 : vector<1x1568x96xbf16> to vector<1568x96xbf16>
    %get3A_59 = arith.constant 1 : index
    %get3A_60 = arith.constant 1 : index
    %get3A_61 = arith.constant 0 : index
    %get3A_62 = arith.constant 0 : index
    %get3A_63 = vector.load %arg11[%get3A_59, %get3A_60, %get3A_61, %get3A_62] : memref<3x3x96x12xbf16, #tpu.memory_space<vmem>>, vector<1x1x96x12xbf16>
    %get3A_64 = vector.shape_cast %get3A_63 : vector<1x1x96x12xbf16> to vector<96x12xbf16>
    %dot_general3A_65 = arith.constant dense<0.000000e+00> : vector<1568x12xf32>
    %dot_general3A_66 = tpu.matmul %get3A_58, %get3A_64, %dot_general3A_65 {dimension_numbers = #tpu.dot_dimension_numbers<[1], [0], [0], [1], [0, 0, 1, 1], [], []>, transpose_lhs_hint = false} : vector<1568x96xbf16>, vector<96x12xbf16>, vector<1568x12xf32> -> vector<1568x12xf32>
    %add3A_67 = arith.addf %add3A_53, %dot_general3A_66 : vector<1568x12xf32>
    %get3A_68 = arith.constant 0 : index
    %get3A_69 = arith.constant 0 : index
    %get3A_70 = arith.constant 0 : index
    %get3A_71 = vector.load %arg7[%get3A_68, %get3A_69, %get3A_70] : memref<1x1568x96xbf16, #tpu.memory_space<vmem>>, vector<1x1568x96xbf16>
    %get3A_72 = vector.shape_cast %get3A_71 : vector<1x1568x96xbf16> to vector<1568x96xbf16>
    %get3A_73 = arith.constant 1 : index
    %get3A_74 = arith.constant 2 : index
    %get3A_75 = arith.constant 0 : index
    %get3A_76 = arith.constant 0 : index
    %get3A_77 = vector.load %arg11[%get3A_73, %get3A_74, %get3A_75, %get3A_76] : memref<3x3x96x12xbf16, #tpu.memory_space<vmem>>, vector<1x1x96x12xbf16>
    %get3A_78 = vector.shape_cast %get3A_77 : vector<1x1x96x12xbf16> to vector<96x12xbf16>
    %dot_general3A_79 = arith.constant dense<0.000000e+00> : vector<1568x12xf32>
    %dot_general3A_80 = tpu.matmul %get3A_72, %get3A_78, %dot_general3A_79 {dimension_numbers = #tpu.dot_dimension_numbers<[1], [0], [0], [1], [0, 0, 1, 1], [], []>, transpose_lhs_hint = false} : vector<1568x96xbf16>, vector<96x12xbf16>, vector<1568x12xf32> -> vector<1568x12xf32>
    %add3A_81 = arith.addf %add3A_67, %dot_general3A_80 : vector<1568x12xf32>
    %get3A_82 = arith.constant 0 : index
    %get3A_83 = arith.constant 0 : index
    %get3A_84 = arith.constant 0 : index
    %get3A_85 = vector.load %arg8[%get3A_82, %get3A_83, %get3A_84] : memref<1x1568x96xbf16, #tpu.memory_space<vmem>>, vector<1x1568x96xbf16>
    %get3A_86 = vector.shape_cast %get3A_85 : vector<1x1568x96xbf16> to vector<1568x96xbf16>
    %get3A_87 = arith.constant 2 : index
    %get3A_88 = arith.constant 0 : index
    %get3A_89 = arith.constant 0 : index
    %get3A_90 = arith.constant 0 : index
    %get3A_91 = vector.load %arg11[%get3A_87, %get3A_88, %get3A_89, %get3A_90] : memref<3x3x96x12xbf16, #tpu.memory_space<vmem>>, vector<1x1x96x12xbf16>
    %get3A_92 = vector.shape_cast %get3A_91 : vector<1x1x96x12xbf16> to vector<96x12xbf16>
    %dot_general3A_93 = arith.constant dense<0.000000e+00> : vector<1568x12xf32>
    %dot_general3A_94 = tpu.matmul %get3A_86, %get3A_92, %dot_general3A_93 {dimension_numbers = #tpu.dot_dimension_numbers<[1], [0], [0], [1], [0, 0, 1, 1], [], []>, transpose_lhs_hint = false} : vector<1568x96xbf16>, vector<96x12xbf16>, vector<1568x12xf32> -> vector<1568x12xf32>
    %add3A_95 = arith.addf %add3A_81, %dot_general3A_94 : vector<1568x12xf32>
    %get3A_96 = arith.constant 0 : index
    %get3A_97 = arith.constant 0 : index
    %get3A_98 = arith.constant 0 : index
    %get3A_99 = vector.load %arg9[%get3A_96, %get3A_97, %get3A_98] : memref<1x1568x96xbf16, #tpu.memory_space<vmem>>, vector<1x1568x96xbf16>
    %get3A_100 = vector.shape_cast %get3A_99 : vector<1x1568x96xbf16> to vector<1568x96xbf16>
    %get3A_101 = arith.constant 2 : index
    %get3A_102 = arith.constant 1 : index
    %get3A_103 = arith.constant 0 : index
    %get3A_104 = arith.constant 0 : index
    %get3A_105 = vector.load %arg11[%get3A_101, %get3A_102, %get3A_103, %get3A_104] : memref<3x3x96x12xbf16, #tpu.memory_space<vmem>>, vector<1x1x96x12xbf16>
    %get3A_106 = vector.shape_cast %get3A_105 : vector<1x1x96x12xbf16> to vector<96x12xbf16>
    %dot_general3A_107 = arith.constant dense<0.000000e+00> : vector<1568x12xf32>
    %dot_general3A_108 = tpu.matmul %get3A_100, %get3A_106, %dot_general3A_107 {dimension_numbers = #tpu.dot_dimension_numbers<[1], [0], [0], [1], [0, 0, 1, 1], [], []>, transpose_lhs_hint = false} : vector<1568x96xbf16>, vector<96x12xbf16>, vector<1568x12xf32> -> vector<1568x12xf32>
    %add3A_109 = arith.addf %add3A_95, %dot_general3A_108 : vector<1568x12xf32>
    %get3A_110 = arith.constant 0 : index
    %get3A_111 = arith.constant 0 : index
    %get3A_112 = arith.constant 0 : index
    %get3A_113 = vector.load %arg10[%get3A_110, %get3A_111, %get3A_112] : memref<1x1568x96xbf16, #tpu.memory_space<vmem>>, vector<1x1568x96xbf16>
    %get3A_114 = vector.shape_cast %get3A_113 : vector<1x1568x96xbf16> to vector<1568x96xbf16>
    %get3A_115 = arith.constant 2 : index
    %get3A_116 = arith.constant 2 : index
    %get3A_117 = arith.constant 0 : index
    %get3A_118 = arith.constant 0 : index
    %get3A_119 = vector.load %arg11[%get3A_115, %get3A_116, %get3A_117, %get3A_118] : memref<3x3x96x12xbf16, #tpu.memory_space<vmem>>, vector<1x1x96x12xbf16>
    %get3A_120 = vector.shape_cast %get3A_119 : vector<1x1x96x12xbf16> to vector<96x12xbf16>
    %dot_general3A_121 = arith.constant dense<0.000000e+00> : vector<1568x12xf32>
    %dot_general3A_122 = tpu.matmul %get3A_114, %get3A_120, %dot_general3A_121 {dimension_numbers = #tpu.dot_dimension_numbers<[1], [0], [0], [1], [0, 0, 1, 1], [], []>, transpose_lhs_hint = false} : vector<1568x96xbf16>, vector<96x12xbf16>, vector<1568x12xf32> -> vector<1568x12xf32>
    %add3A_123 = arith.addf %add3A_109, %dot_general3A_122 : vector<1568x12xf32>
    %get3A_124 = arith.constant 0 : index
    %get3A_125 = arith.constant 0 : index
    %get3A_126 = vector.load %arg12[%get3A_124, %get3A_125] : memref<1x12xf32, #tpu.memory_space<vmem>>, vector<1x12xf32>
    %add3A_127 = vector.broadcast %get3A_126 : vector<1x12xf32> to vector<1568x12xf32>
    %add3A_128 = arith.addf %add3A_123, %add3A_127 : vector<1568x12xf32>
    %swap3A = arith.constant 0 : index
    %swap3A_129 = arith.constant 0 : index
    %swap3A_130 = arith.constant 0 : index
    %swap3A_131 = vector.load %arg13[%swap3A, %swap3A_129, %swap3A_130] : memref<1x1568x12xf32, #tpu.memory_space<vmem>>, vector<1x1568x12xf32>
    %swap3A_132 = vector.shape_cast %swap3A_131 : vector<1x1568x12xf32> to vector<1568x12xf32>
    %swap3A_133 = vector.shape_cast %add3A_128 : vector<1568x12xf32> to vector<1x1568x12xf32>
    tpu.vector_store %arg13[%swap3A, %swap3A_129, %swap3A_130], %swap3A_133 {strides = array<i32>} : memref<1x1568x12xf32, #tpu.memory_space<vmem>>, vector<1x1568x12xf32>,
    return
  }
  func.func @transform_0(%arg0: i32, %arg1: i32) -> (i32, i32, i32) {
    %c0_i32 = arith.constant 0 : i32
    %c0_i32_0 = arith.constant 0 : i32
    return %arg0, %arg1, %c0_i32 : i32, i32, i32
  }
  func.func @transform_1(%arg0: i32, %arg1: i32) -> (i32, i32, i32) {
    %c0_i32 = arith.constant 0 : i32
    %c0_i32_0 = arith.constant 0 : i32
    return %arg0, %arg1, %c0_i32 : i32, i32, i32
  }
  func.func @transform_2(%arg0: i32, %arg1: i32) -> (i32, i32, i32) {
    %c0_i32 = arith.constant 0 : i32
    %c0_i32_0 = arith.constant 0 : i32
    return %arg0, %arg1, %c0_i32 : i32, i32, i32
  }
  func.func @transform_3(%arg0: i32, %arg1: i32) -> (i32, i32, i32) {
    %c0_i32 = arith.constant 0 : i32
    %c0_i32_0 = arith.constant 0 : i32
    return %arg0, %arg1, %c0_i32 : i32, i32, i32
  }
  func.func @transform_4(%arg0: i32, %arg1: i32) -> (i32, i32, i32) {
    %c0_i32 = arith.constant 0 : i32
    %c0_i32_0 = arith.constant 0 : i32
    return %arg0, %arg1, %c0_i32 : i32, i32, i32
  }
  func.func @transform_5(%arg0: i32, %arg1: i32) -> (i32, i32, i32) {
    %c0_i32 = arith.constant 0 : i32
    %c0_i32_0 = arith.constant 0 : i32
    return %arg0, %arg1, %c0_i32 : i32, i32, i32
  }
  func.func @transform_6(%arg0: i32, %arg1: i32) -> (i32, i32, i32) {
    %c0_i32 = arith.constant 0 : i32
    %c0_i32_0 = arith.constant 0 : i32
    return %arg0, %arg1, %c0_i32 : i32, i32, i32
  }
  func.func @transform_7(%arg0: i32, %arg1: i32) -> (i32, i32, i32) {
    %c0_i32 = arith.constant 0 : i32
    %c0_i32_0 = arith.constant 0 : i32
    return %arg0, %arg1, %c0_i32 : i32, i32, i32
  }
  func.func @transform_8(%arg0: i32, %arg1: i32) -> (i32, i32, i32) {
    %c0_i32 = arith.constant 0 : i32
    %c0_i32_0 = arith.constant 0 : i32
    return %arg0, %arg1, %c0_i32 : i32, i32, i32
  }
  func.func @transform_9(%arg0: i32, %arg1: i32) -> (i32, i32, i32, i32) {
    %c0_i32 = arith.constant 0 : i32
    %c0_i32_0 = arith.constant 0 : i32
    %c0_i32_1 = arith.constant 0 : i32
    %c0_i32_2 = arith.constant 0 : i32
    %c0_i32_3 = arith.constant 0 : i32
    return %c0_i32, %c0_i32_0, %c0_i32_1, %c0_i32_2 : i32, i32, i32, i32
  }
  func.func @transform_10(%arg0: i32, %arg1: i32) -> (i32, i32) {
    %c0_i32 = arith.constant 0 : i32
    %c0_i32_0 = arith.constant 0 : i32
    %c0_i32_1 = arith.constant 0 : i32
    return %c0_i32, %c0_i32_0 : i32, i32
  }
  func.func @transform_11(%arg0: i32, %arg1: i32) -> (i32, i32, i32) {
    %c0_i32 = arith.constant 0 : i32
    %c0_i32_0 = arith.constant 0 : i32
    return %arg0, %arg1, %c0_i32 : i32, i32, i32
  }
}

</mosaic_0001>

<sc_bundles>
// kernel: kernel.7.cloned.1.call-start
scs
__scs_entry_jumppad:
0x0: {  	(pc) =	sbr.rel $0x88, $3  }
0x1: {  	(tag) =	ssettag $0x0;
	lr =	simm.s32 $0x1  }
0x2: {  	[smem:$0x3F97] =	sst lr;
	_ =	strace $0xD0000000  }
0x3: {  	_ = 	snop  }
0x4: {  	_ = 	snop  }
0x5: {  	_ = 	snop  }
0x6: {  	_ = 	snop  }
0x7: {  	_ = 	snop  }
__scs_overlays_trampoline_lowered:
0x8: {  	[smem:$0x3FA6] =	sst s0  }
0x9: {  	[smem:$0x3FA7] =	sst s1  }
0xa: {  	[smem:$0x3FA8] =	sst s2  }
0xb: {  	[smem:$0x3FA9] =	sst s3  }
0xc: {  	[smem:$0x3FAA] =	sst s4  }
0xd: {  	[smem:$0x3FAB] =	sst s5  }
0xe: {  	[smem:$0x3FAC] =	sst s6  }
0xf: {  	[smem:$0x3FAD] =	sst s7  }
0x10: {  	[smem:$0x3FAE] =	sst s8  }
0x11: {  	[smem:$0x3FAF] =	sst s9;
	s0 =	simm.s32 @!p0 $0x0  }
0x12: {  	s1 =	sld [smem:$0x3F95];
	s0 =	simm.s32 @p0 $0x1  }
0x13: {  	[smem:$0x3FB0] =	sst s0;
	s0 =	simm.s32 @!p1 $0x0  }
0x14: {  	s2 =	sld [smem:$0x3F94];
	s0 =	simm.s32 @p1 $0x1  }
0x15: {  	[smem:$0x3FB1] =	sst s0;
	s0 =	simm.s32 @!p2 $0x0  }
0x16: {  	s3 =	sld [smem:$0x3FDB];
	s0 =	simm.s32 @p2 $0x1  }
0x17: {  	s4 =	simm.s32 $0x1BF5;
	[smem:$0x3FB3] =	sst s0  }
0x18: {  	s0 =	sld [smem:$0x3F96];
	_ =	swait.ge [sflag:s4], $0x0  }
0x19: {  	s7 =	sld [smem:$0x3F97]  }
0x1a: {  	s8 =	sadd.s32 $0xFFFFE003, lr  }
0x1b: {  	s9 =	sadd.s32 $0xFFFFFEF7, lr;
	s5 =	simm.s32 $0xFFFFFFFF;
	p2 =	slt.u32 s8, $0xFFFFF086  }
0x1c: {  	p1 =	slt.u32 s9, $0xF7A;
	s5 =	simm.s32 @!p2 $0x0  }
0x1d: {  	s5 =	simm.s32 @p1 $0x1;
	p0 =	seq.s32 s7, s2  }
0x1e: {  	s7 =	smul.u32 @!p0 $0xF7A, s2;
	p2 =	seq.s32 @!p0 s5, $0x0  }
0x1f: {  	s9 =	smul.u32 $0xF7A, s1;
	s8 =	simm.s32 @!p0 $0x1BF5;
	p2 =	por !p2, p0  }
0x20: {  	[sflag:s8] =	ssyncset.s32 @!p0 $0xFFFFF086;
	s6 =	sadd.s32 @!p0 s3, s7;
	s7 =	simm.s32 @!p0 $0x108  }
0x21: {  	s3 =	sadd.s32 s3, s9;
	s6 =	sadd.s32 @!p0 $0x88, s6;
	s7 =	simm.s32 @p2 $0x1082  }
0x22: {  	[simem:s7], [sflag:s8] =	dma.local @!p0 [hbm:s6], $0xF7A  }
0x23: {  	s9 =	sor.u32 $0xD0000000, s2;
	s6 =	simm.s32 $0x108;
	_ =	swait.ge @!p0 [sflag:s8], $0x0  }
0x24: {  	s3 =	sadd.s32 $0x88, s3;
	s6 =	simm.s32 @!p1 $0x1082;
	[sflag:s4] =	ssyncset.s32 $0xFFFFF086  }
0x25: {  	[simem:s6], [sflag:s4] =	dma.local [hbm:s3], $0xF7A  }
0x26: {  	[smem:$0x3F97] =	sst s1;
	(tag) =	ssettag s2;
	_ =	strace s9  }
0x27: {  	s1 =	sld [smem:$0x3FA7]  }
0x28: {  	s2 =	sld [smem:$0x3FA8]  }
0x29: {  	s4 =	sld [smem:$0x3FAA]  }
0x2a: {  	p0 =	seq.s32 s5, $0x0;
	s5 =	sld [smem:$0x3FAB]  }
0x2b: {  	s6 =	sld [smem:$0x3FAC]  }
0x2c: {  	s7 =	sld [smem:$0x3FAD]  }
0x2d: {  	s3 =	simm.s32 $0x108;
	s8 =	sld [smem:$0x3FAE]  }
0x2e: {  	s3 =	simm.s32 @!p0 $0x1082;
	s9 =	sld [smem:$0x3FAF]  }
0x2f: {  	lr =	sadd.s32 s0, s3;
	s0 =	sld [smem:$0x3FA6]  }
0x30: {  	s3 =	sld [smem:$0x3FA9]  }
0x31: {  	[smem:$0x3FB2] =	sst s10  }
0x32: {  	s10 =	sld [smem:$0x3FB0];
	_ =	sdelay $0x3  }
0x33: {  	p0 =	seq.s32 s10, $0x1;
	s10 =	sld [smem:$0x3FB2];
	_ =	sdelay $0x3  }
0x34: {  	[smem:$0x3FB2] =	sst s10  }
0x35: {  	s10 =	sld [smem:$0x3FB1];
	_ =	sdelay $0x3  }
0x36: {  	p1 =	seq.s32 s10, $0x1;
	s10 =	sld [smem:$0x3FB2];
	_ =	sdelay $0x3  }
0x37: {  	[smem:$0x3FB2] =	sst s10  }
0x38: {  	s10 =	sld [smem:$0x3FB3]  }
0x39: {  	_ = 	snop;
	(pc) =	sbr.ind lr, $3  }
0x3a: {  	_ = 	snop  }
0x3b: {  	_ = 	snop  }
0x3c: {  	p2 =	seq.s32 s10, $0x1;
	s10 =	sld [smem:$0x3FB2]  }
0x3d: {  	_ =	shalt  }
0x3e: {  	_ =	shalt  }
0x3f: {  	_ =	shalt  }
0x40: {  	_ =	shalt  }
0x41: {  	_ =	shalt  }
0x42: {  	_ =	shalt  }
0x43: {  	_ =	shalt  }
0x44: {  	_ =	shalt  }
0x45: {  	_ =	shalt  }
0x46: {  	_ =	shalt  }
0x47: {  	_ =	shalt  }
0x48: {  	_ =	shalt  }
0x49: {  	_ =	shalt  }
0x4a: {  	_ =	shalt  }
0x4b: {  	_ =	shalt  }
0x4c: {  	_ =	shalt  }
0x4d: {  	_ =	shalt  }
0x4e: {  	_ =	shalt  }
0x4f: {  	_ =	shalt  }
0x50: {  	_ =	shalt  }
0x51: {  	_ =	shalt  }
0x52: {  	_ =	shalt  }
0x53: {  	_ =	shalt  }
0x54: {  	_ =	shalt  }
0x55: {  	_ =	shalt  }
0x56: {  	_ =	shalt  }
0x57: {  	_ =	shalt  }
0x58: {  	_ =	shalt  }
0x59: {  	_ =	shalt  }
0x5a: {  	_ =	shalt  }
0x5b: {  	_ =	shalt  }
0x5c: {  	_ =	shalt  }
0x5d: {  	_ =	shalt  }
0x5e: {  	_ =	shalt  }
0x5f: {  	_ =	shalt  }
0x60: {  	_ =	shalt  }
0x61: {  	_ =	shalt  }
0x62: {  	_ =	shalt  }
0x63: {  	_ =	shalt  }
0x64: {  	_ =	shalt  }
0x65: {  	_ =	shalt  }
0x66: {  	_ =	shalt  }
0x67: {  	_ =	shalt  }
0x68: {  	_ =	shalt  }
0x69: {  	_ =	shalt  }
0x6a: {  	_ =	shalt  }
0x6b: {  	_ =	shalt  }
0x6c: {  	_ =	shalt  }
0x6d: {  	_ =	shalt  }
0x6e: {  	_ =	shalt  }
0x6f: {  	_ =	shalt  }
0x70: {  	_ =	shalt  }
0x71: {  	_ =	shalt  }
0x72: {  	_ =	shalt  }
0x73: {  	_ =	shalt  }
0x74: {  	_ =	shalt  }
0x75: {  	_ =	shalt  }
0x76: {  	_ =	shalt  }
0x77: {  	_ =	shalt  }
0x78: {  	_ =	shalt  }
0x79: {  	_ =	shalt  }
0x7a: {  	_ =	shalt  }
0x7b: {  	_ =	shalt  }
0x7c: {  	_ =	shalt  }
0x7d: {  	_ =	shalt  }
0x7e: {  	_ =	shalt  }
0x7f: {  	_ =	shalt  }
0x80: {  	_ =	shalt  }
0x81: {  	_ =	shalt  }
0x82: {  	_ =	shalt  }
0x83: {  	_ =	shalt  }
0x84: {  	_ =	shalt  }
0x85: {  	_ =	shalt  }
0x86: {  	_ =	shalt  }
0x87: {  	_ =	shalt  }
.Lfunc_end0:
.L_simem_size_0:
called_computation.2_lowered:
.L_overlay_start_0:
0x88: {  	s2 =	sld [smem:$0x3FD9]  }
0x89: {  	s3 =	sld [smem:$0x3FFE];
	_ =	sdelay $0x1  }
0x8a: {  	s1 =	srdreg.scid  }
0x8b: {  	s0 =	sand.u32 $0x1, s1  }
0x8c: {  	s14 =	sshll.u32 s0, $0xA;
	s2 =	sadd.s32 s3, s2  }
0x8d: {  	s2 =	sadd.s32 s2, s14  }
0x8e: {  	[smem:$0x3FBE] =	sst s2  }
0x8f: {  	_ = 	snop  }
0x90: {  	s2 =	sld [smem:$0x3FD0];
	_ =	sdelay $0x2  }
0x91: {  	s4 =	simm.s32 $0xA;
	s5 =	simm.s32 $0x10;
	s15 =	sld [smem:$0x3FC4]  }
0x92: {  	[smem:s5], [sflag:s4] =	dma.local [hbm:s2], $0x1  }
0x93: {  	_ =	swait.eq [sflag:s4], $0x1  }
0x94: {  	[sflag:s4] =	ssyncset.done $0x0  }
0x95: {  	[sflag:s4] =	ssyncadd.s32 $0xFFFFFFFF  }
0x96: {  	s16 =	sld [smem:$0x11];
	(tm) =	ssettm $0x1  }
0x97: {  	s17 =	sld [smem:$0x3FFB];
	_ =	sdelay $0x3  }
0x98: {  	_ =	strace s17  }
0x99: {  	s4 =	sld [smem:$0x3FFC];
	_ =	sdelay $0x3  }
0x9a: {  	_ =	strace s4  }
0x9b: {  	s4 =	sld [smem:$0x3FFD];
	_ =	sdelay $0x3  }
0x9c: {  	_ =	strace s4  }
0x9d: {  	_ =	strace $0x8FFFFFFF  }
0x9e: {  	s18 =	sld [smem:$0x3FDB];
	_ =	sdelay $0x1  }
0x9f: {  	s19 =	simm.s32 $_scs_section_size  }
0xa0: {  	s6 =	simm.s32 $_size__tile_overlayer_lowered;
	s7 =	simm.s32 $_tile_overlayer_lowered  }
0xa1: {  	s22 =	simm.s32 $0x1BFF;
	s21 =	sshll.u32 s7, $0x1;
	s4 =	sadd.s32 s19, s18  }
0xa2: {  	s8 =	simm.s32 $0x0;
	s20 =	sshll.u32 s6, $0x1;
	s6 =	sadd.s32 s21, s4  }
0xa3: {  	[timem:s8], [sflag:s22] =	dma.local [hbm:s6], s20  }
0xa4: {  	_ =	swait.ge [sflag:s22], s20  }
0xa5: {  	s5 =	ssub.s32 $0x0, s20;
	[sflag:s22] =	ssyncset.done $0x0  }
0xa6: {  	[sflag:s22] =	ssyncadd.s32 s5;
	_ =	sdelay $0x1  }
0xa7: {  	s23 =	simm.s32 $0x1B8B  }
0xa8: {  	_ =	swait.ge [sflag:s23], $0x1  }
0xa9: {  	[sflag:s23] =	ssyncset.done $0x0  }
0xaa: {  	s25 =	simm.s32 $0x1B8E;
	s24 =	sld [smem:$0x3FFE];
	[sflag:s23] =	ssyncadd.s32 $0xFFFFFFFF  }
0xab: {  	s26 =	simm.s32 $execute0_lowered;
	[smem:$0x3FD2] =	sst s25  }
0xac: {  	s6 =	sshll.u32 s26, $0x1;
	_ =	strace $0x8000004C;
	[dreg:$0x1] =	wrdreg $0xFFFFFFFF  }
0xad: {  	s28 =	simm.s32 $_size_execute0_lowered;
	s4 =	sadd.s32 s4, s6;
	[dreg:$0x0] =	wrdreg $0x0  }
0xae: {  	s6 =	sshll.u32 s28, $0x1;
	[dreg:$0x2] =	wrdreg s4  }
0xaf: {  	[dreg:$0x3] =	wrdreg s6  }
0xb0: {  	[dreg:$0x4] =	wrdreg $0xC0  }
0xb1: {  	_ =	task [dreg:s8], $0x5FFFF  }
0xb2: {  	[dreg:$0x1] =	wrdreg $0xFFFFFFFF  }
0xb3: {  	[dreg:$0x0] =	wrdreg $0x60  }
0xb4: {  	[dreg:$0x2] =	wrdreg s15  }
0xb5: {  	[dreg:$0x3] =	wrdreg s24  }
0xb6: {  	[dreg:$0x4] =	wrdreg s16  }
0xb7: {  	[dreg:$0x5] =	wrdreg $0x9  }
0xb8: {  	_ =	task.clear_ibuf [dreg:s8], $0x6FFFF;
	_ =	strace $0x9000004C  }
0xb9: {  	s29 =	simm.s32 $0x9;
	_ =	strace $0x8000004E  }
0xba: {  	_ =	swait.ge [sflag:s29], $0x1  }
0xbb: {  	[sflag:s29] =	ssyncadd.s32 $0xFFFFFFFF  }
0xbc: {  	_ =	strace $0x9000004E  }
0xbd: {  	_ =	sfence  }
0xbe: {  	s30 =	sld [smem:$0x0];
	_ =	sdelay $0x2  }
0xbf: {  	s31 =	sshll.u32 s1, $0xD;
	s1 =	sshrl.u32 s1, $0x2  }
0xc0: {  	s3 =	sand.u32 $0x4000, s31;
	s1 =	sadd.s32 s1, s30  }
0xc1: {  	s0 =	sor.u32 s3, s0;
	s1 =	sshll.u32 s1, $0x11  }
0xc2: {  	s0 =	sor.u32 s1, s0  }
0xc3: {  	s0 =	sadd.s32 $0x8F2B, s0  }
0xc4: {  	[sflag:s0] =	ssyncadd.remote.s32 $0x1  }
0xc5: {  	_ =	sfence.sel $0xFFFF  }
0xc6: {  	[dreg:$0x0] =	wrdreg $0xFFFFFFFF;
	(pc) =	sbr.abs _section_cstart, $3  }
0xc7: {  	[dreg:$0x1] =	wrdreg $0xFFFFFFFF  }
0xc8: {  	_ =	task.clear_ibuf [dreg:s8], $0x2FFFF;
	_ =	strace $0x9FFFFFFF  }
0xc9: {  	(tm) =	ssettm $0x7FFFFFFF  }
tec
execute0_lowered:
.L_overlay_start_1:
0x0: {  	(tag) =	ssettag $0x1  }
0x1: {  	s1 =	rddreg [dreg:$0x0]  }
0x2: {  	s2 =	srdreg.scid;
	s3 =	stileid.u32  }
0x3: {  	s0 =	rddreg [dreg:$0x1];
	s2 =	sand.u32 $0x1, s2;
	s3 =	sshll.u32 s3, $0x1  }
0x4: {  	s4 =	rddreg [dreg:$0x2];
	s5 =	sor.u32 s2, s3;
	s3 =	simm.s32 $0x0  }
0x5: {  	s16 =	simm.s32 $0x15C00;
	[smem:$0x7FF] =	sst s3  }
0x6: {  	s17 =	simm.s32 $0x16400;
	_ =	strace $0x8000004D;
	[dreg:$0xc] =	wrdreg s16  }
0x7: {  	s18 =	simm.s32 $0x16C00;
	[dreg:$0xd] =	wrdreg s17  }
0x8: {  	s19 =	simm.s32 $0x17400;
	[dreg:$0xe] =	wrdreg s18  }
0x9: {  	s20 =	simm.s32 $0x17C00;
	s21 =	simm.s32 $0x18400;
	[dreg:$0xf] =	wrdreg s19  }
0xa: {  	s22 =	simm.s32 $0x18C00;
	s23 =	simm.s32 $0x19400;
	[dreg:$0x10] =	wrdreg s20  }
0xb: {  	s24 =	simm.s32 $0x19C00;
	s25 =	simm.s32 $0x1A400;
	[dreg:$0x11] =	wrdreg s21  }
0xc: {  	s26 =	simm.s32 $0x1AC00;
	s29 =	simm.s32 $0x1B400;
	[dreg:$0x12] =	wrdreg s22  }
0xd: {  	s30 =	simm.s32 $0x1BC00;
	s31 =	simm.s32 $0xC00;
	[dreg:$0x13] =	wrdreg s23  }
0xe: {  	s28 =	simm.s32 $0xA400;
	s2 =	ssub.s32 $0x2, s2;
	[dreg:$0x14] =	wrdreg s24  }
0xf: {  	s6 =	sshll.u32 s5, $0x7;
	s7 =	smul.u32 $0x31000, s5;
	[dreg:$0x15] =	wrdreg s25  }
0x10: {  	s5 =	smul.u32 $0x6200, s5;
	s14 =	sshrl.u32 s2, $0x1;
	[dreg:$0x16] =	wrdreg s26  }
0x11: {  	s0 =	sadd.s32 s6, s0;
	s2 =	ssub.s32 s2, s14;
	[dreg:$0x17] =	wrdreg s29  }
0x12: {  	[dreg:$0x18] =	wrdreg s30;
	s24 =	simm.s32 $0x1;
	s25 =	simm.s32 $0x2  }
0x13: {  	s26 =	simm.s32 $0x3;
	s6 =	simm.s32 $0x1C00;
	s14 =	simm.s32 $0x5400  }
0x14: {  	s16 =	simm.s32 $0x6400;
	s17 =	simm.s32 $0x6C00;
	s18 =	simm.s32 $0x7C00  }
0x15: {  	s19 =	simm.s32 $0x8400;
	s0 =	sadd.s32 $0x5600, s0;
	s7 =	sshrl.u32 s7, $0x3  }
0x16: {  	s8 =	sadd.s32 s4, s5;
	[dreg:$0x4] =	wrdreg s0;
	s4 =	sadd.s32 s4, s7  }
0x17: {  	s21 =	simm.s32 $0x8C00;
	[dreg:$0x5] =	wrdreg s8;
	s9 =	sadd.s32 $0xE00, s4  }
0x18: {  	s22 =	simm.s32 $0x9400;
	s10 =	sadd.s32 $0x1C00, s4;
	[dreg:$0x6] =	wrdreg s9  }
0x19: {  	s23 =	simm.s32 $0x9C00;
	s11 =	sadd.s32 $0x2A00, s4;
	[dreg:$0x7] =	wrdreg s10  }
0x1a: {  	s20 =	simm.s32 $0xB400;
	s12 =	sadd.s32 $0x3800, s4;
	[dreg:$0x8] =	wrdreg s11  }
0x1b: {  	s5 =	simm.s32 $0x5;
	s13 =	sadd.s32 $0x4600, s4;
	[dreg:$0x9] =	wrdreg s12  }
0x1c: {  	s7 =	simm.s32 $0x2400;
	s15 =	sadd.s32 $0x5400, s4;
	[dreg:$0xa] =	wrdreg s13  }
0x1d: {  	v2 =	vlaneseq.u32;
	s8 =	simm.s32 $0x7400;
	s4 =	smax.u32 s2, $0x1;
	[dreg:$0xb] =	wrdreg s15  }
0x1e: {  	vm0 =	vmmov $0xffff;
	v1 =	vshrl.u32 v2, $0x3;
	s9 =	simm.s32 $0x2C00;
	s10 =	simm.s32 $0x3400;
	s11 =	simm.s32 $0x3C00  }
0x1f: {  	v0 =	vand.u32 $0x7, v2;
	v2 =	vor.u32 $0x8, v2;
	v1 =	vmul.u32 $0x8, v1;
	s12 =	simm.s32 $0x4400;
	s13 =	simm.s32 $0x4C00;
	s15 =	simm.s32 $0x5C00  }
.LBB2_1:
0x20: {  	s29 =	rddreg [dreg:$0x4]  }
0x21: {  	[tilespmem:s3], [sflag:$0x5] =	stream.linear.gather [hbm4b:s29+s3], $0x380, $0x38;
	[tilespmem:$0x1C400] =	vst v63  }
0x22: {  	_ =	swait.ge [sflag:s5], $0x380  }
0x23: {  	[sflag:s5] =	ssyncset.done $0x0  }
0x24: {  	[sflag:s5] =	ssyncadd.s32 $0xFFFFFC80  }
0x25: {  	v3 =	vld [tilespmem:$0x0];
	_ =	sdelay $0x4  }
0x26: {  	v4 =	vshll.u32 v3, $0x1  }
0x27: {  	v3 =	vand.u32 $0x7, v3;
	v4 =	vand.u32 $0xFFFFFFF0, v4  }
0x28: {  	v3 =	vor.u32 v3, v4  }
0x29: {  	v4 =	vperm.xlane v3, v0;
	_ =	sdelay $0x1  }
0x2a: {  	v3 =	vperm.xlane v3, v2;
	v4 =	vadd.s32 v1, v4;
	_ =	sdelay $0x1  }
0x2b: {  	v3 =	vadd.s32 v1, v3;
	_ =	sdelay $0x1  }
0x2c: {  	s0 =	simm.s32 $0x400  }
0x2d: {  	[tilespmem:s0], [sflag:$0x1] =	stream.indirect_vreg.gather [hbm4b:s1+s3], $0x80, v4, vm0, $0xb8;
	[tilespmem:$0x1C400] =	vst v63  }
0x2e: {  	_ = 	snop  }
0x2f: {  	[tilespmem:s31], [sflag:$0x1] =	stream.indirect_vreg.gather [hbm4b:s1+s3], $0x80, v3, vm0, $0xb8;
	[tilespmem:$0x1C400] =	vst v63  }
0x30: {  	v3 =	vld [tilespmem:$0x10];
	_ =	sdelay $0x4  }
0x31: {  	v16 =	vshll.u32 v3, $0x1  }
0x32: {  	v3 =	vand.u32 $0x7, v3;
	v4 =	vand.u32 $0xFFFFFFF0, v16  }
0x33: {  	v3 =	vor.u32 v3, v4  }
0x34: {  	v4 =	vperm.xlane v3, v0;
	_ =	sdelay $0x1  }
0x35: {  	v3 =	vperm.xlane v3, v2;
	v4 =	vadd.s32 v1, v4;
	_ =	sdelay $0x1  }
0x36: {  	v3 =	vadd.s32 v1, v3;
	_ =	sdelay $0x1  }
0x37: {  	s2 =	simm.s32 $0x1400  }
0x38: {  	[tilespmem:s2], [sflag:$0x1] =	stream.indirect_vreg.gather [hbm4b:s1+s3], $0x80, v4, vm0, $0xb8;
	[tilespmem:$0x1C400] =	vst v63  }
0x39: {  	_ = 	snop  }
0x3a: {  	[tilespmem:s6], [sflag:$0x1] =	stream.indirect_vreg.gather [hbm4b:s1+s3], $0x80, v3, vm0, $0xb8;
	[tilespmem:$0x1C400] =	vst v63  }
0x3b: {  	v3 =	vld [tilespmem:$0x20];
	_ =	sdelay $0x4  }
0x3c: {  	v17 =	vshll.u32 v3, $0x1  }
0x3d: {  	v3 =	vand.u32 $0x7, v3;
	v4 =	vand.u32 $0xFFFFFFF0, v17  }
0x3e: {  	v3 =	vor.u32 v3, v4  }
0x3f: {  	v4 =	vperm.xlane v3, v0;
	_ =	sdelay $0x1  }
0x40: {  	v3 =	vperm.xlane v3, v2;
	v4 =	vadd.s32 v1, v4;
	_ =	sdelay $0x1  }
0x41: {  	v3 =	vadd.s32 v1, v3;
	_ =	sdelay $0x2  }
0x42: {  	[tilespmem:s7], [sflag:$0x1] =	stream.indirect_vreg.gather [hbm4b:s1+s3], $0x80, v4, vm0, $0xb8;
	[tilespmem:$0x1C400] =	vst v63  }
0x43: {  	_ = 	snop  }
0x44: {  	[tilespmem:s9], [sflag:$0x1] =	stream.indirect_vreg.gather [hbm4b:s1+s3], $0x80, v3, vm0, $0xb8;
	[tilespmem:$0x1C400] =	vst v63  }
0x45: {  	v3 =	vld [tilespmem:$0x30];
	_ =	sdelay $0x4  }
0x46: {  	v18 =	vshll.u32 v3, $0x1  }
0x47: {  	v3 =	vand.u32 $0x7, v3;
	v4 =	vand.u32 $0xFFFFFFF0, v18  }
0x48: {  	v3 =	vor.u32 v3, v4  }
0x49: {  	v4 =	vperm.xlane v3, v0;
	_ =	sdelay $0x1  }
0x4a: {  	v3 =	vperm.xlane v3, v2;
	v4 =	vadd.s32 v1, v4;
	_ =	sdelay $0x1  }
0x4b: {  	v3 =	vadd.s32 v1, v3;
	_ =	sdelay $0x2  }
0x4c: {  	[tilespmem:s10], [sflag:$0x1] =	stream.indirect_vreg.gather [hbm4b:s1+s3], $0x80, v4, vm0, $0xb8;
	[tilespmem:$0x1C400] =	vst v63  }
0x4d: {  	_ = 	snop  }
0x4e: {  	[tilespmem:s11], [sflag:$0x1] =	stream.indirect_vreg.gather [hbm4b:s1+s3], $0x80, v3, vm0, $0xb8;
	[tilespmem:$0x1C400] =	vst v63  }
0x4f: {  	v3 =	vld [tilespmem:$0x40];
	_ =	sdelay $0x4  }
0x50: {  	v19 =	vshll.u32 v3, $0x1  }
0x51: {  	v3 =	vand.u32 $0x7, v3;
	v4 =	vand.u32 $0xFFFFFFF0, v19  }
0x52: {  	v3 =	vor.u32 v3, v4  }
0x53: {  	v4 =	vperm.xlane v3, v0;
	_ =	sdelay $0x1  }
0x54: {  	v3 =	vperm.xlane v3, v2;
	v4 =	vadd.s32 v1, v4;
	_ =	sdelay $0x1  }
0x55: {  	v3 =	vadd.s32 v1, v3;
	_ =	sdelay $0x2  }
0x56: {  	[tilespmem:s12], [sflag:$0x1] =	stream.indirect_vreg.gather [hbm4b:s1+s3], $0x80, v4, vm0, $0xb8;
	[tilespmem:$0x1C400] =	vst v63  }
0x57: {  	_ = 	snop  }
0x58: {  	[tilespmem:s13], [sflag:$0x1] =	stream.indirect_vreg.gather [hbm4b:s1+s3], $0x80, v3, vm0, $0xb8;
	[tilespmem:$0x1C400] =	vst v63  }
0x59: {  	v3 =	vld [tilespmem:$0x50];
	_ =	sdelay $0x4  }
0x5a: {  	v20 =	vshll.u32 v3, $0x1  }
0x5b: {  	v3 =	vand.u32 $0x7, v3;
	v4 =	vand.u32 $0xFFFFFFF0, v20  }
0x5c: {  	v3 =	vor.u32 v3, v4  }
0x5d: {  	v4 =	vperm.xlane v3, v0;
	_ =	sdelay $0x1  }
0x5e: {  	v3 =	vperm.xlane v3, v2;
	v4 =	vadd.s32 v1, v4;
	_ =	sdelay $0x1  }
0x5f: {  	v3 =	vadd.s32 v1, v3;
	_ =	sdelay $0x2  }
0x60: {  	[tilespmem:s14], [sflag:$0x1] =	stream.indirect_vreg.gather [hbm4b:s1+s3], $0x80, v4, vm0, $0xb8;
	[tilespmem:$0x1C400] =	vst v63  }
0x61: {  	_ = 	snop  }
0x62: {  	[tilespmem:s15], [sflag:$0x1] =	stream.indirect_vreg.gather [hbm4b:s1+s3], $0x80, v3, vm0, $0xb8;
	[tilespmem:$0x1C400] =	vst v63  }
0x63: {  	v3 =	vld [tilespmem:$0x60];
	_ =	sdelay $0x4  }
0x64: {  	v21 =	vshll.u32 v3, $0x1  }
0x65: {  	v3 =	vand.u32 $0x7, v3;
	v4 =	vand.u32 $0xFFFFFFF0, v21  }
0x66: {  	v3 =	vor.u32 v3, v4  }
0x67: {  	v4 =	vperm.xlane v3, v0;
	_ =	sdelay $0x1  }
0x68: {  	v3 =	vperm.xlane v3, v2;
	v4 =	vadd.s32 v1, v4;
	_ =	sdelay $0x1  }
0x69: {  	v3 =	vadd.s32 v1, v3;
	_ =	sdelay $0x2  }
0x6a: {  	[tilespmem:s16], [sflag:$0x1] =	stream.indirect_vreg.gather [hbm4b:s1+s3], $0x80, v4, vm0, $0xb8;
	[tilespmem:$0x1C400] =	vst v63  }
0x6b: {  	_ = 	snop  }
0x6c: {  	[tilespmem:s17], [sflag:$0x1] =	stream.indirect_vreg.gather [hbm4b:s1+s3], $0x80, v3, vm0, $0xb8;
	[tilespmem:$0x1C400] =	vst v63  }
0x6d: {  	v3 =	vld [tilespmem:$0x80];
	_ =	sdelay $0x4  }
0x6e: {  	v22 =	vshll.u32 v3, $0x1  }
0x6f: {  	v3 =	vand.u32 $0x7, v3;
	v4 =	vand.u32 $0xFFFFFFF0, v22  }
0x70: {  	v3 =	vor.u32 v3, v4  }
0x71: {  	v4 =	vperm.xlane v3, v0;
	_ =	sdelay $0x1  }
0x72: {  	v3 =	vperm.xlane v3, v2;
	v4 =	vadd.s32 v1, v4;
	_ =	sdelay $0x1  }
0x73: {  	v3 =	vadd.s32 v1, v3;
	_ =	sdelay $0x2  }
0x74: {  	[tilespmem:s8], [sflag:$0x2] =	stream.indirect_vreg.gather [hbm4b:s1+s3], $0x80, v4, vm0, $0xb8;
	[tilespmem:$0x1C400] =	vst v63  }
0x75: {  	_ = 	snop  }
0x76: {  	[tilespmem:s18], [sflag:$0x2] =	stream.indirect_vreg.gather [hbm4b:s1+s3], $0x80, v3, vm0, $0xb8;
	[tilespmem:$0x1C400] =	vst v63  }
0x77: {  	v3 =	vld [tilespmem:$0x90];
	_ =	sdelay $0x4  }
0x78: {  	v23 =	vshll.u32 v3, $0x1  }
0x79: {  	v3 =	vand.u32 $0x7, v3;
	v4 =	vand.u32 $0xFFFFFFF0, v23  }
0x7a: {  	v3 =	vor.u32 v3, v4  }
0x7b: {  	v4 =	vperm.xlane v3, v0;
	_ =	sdelay $0x1  }
0x7c: {  	v3 =	vperm.xlane v3, v2;
	v4 =	vadd.s32 v1, v4;
	_ =	sdelay $0x1  }
0x7d: {  	v3 =	vadd.s32 v1, v3;
	_ =	sdelay $0x2  }
0x7e: {  	[tilespmem:s19], [sflag:$0x2] =	stream.indirect_vreg.gather [hbm4b:s1+s3], $0x80, v4, vm0, $0xb8;
	[tilespmem:$0x1C400] =	vst v63  }
0x7f: {  	_ = 	snop  }
0x80: {  	[tilespmem:s21], [sflag:$0x2] =	stream.indirect_vreg.gather [hbm4b:s1+s3], $0x80, v3, vm0, $0xb8;
	[tilespmem:$0x1C400] =	vst v63  }
0x81: {  	v3 =	vld [tilespmem:$0xA0];
	_ =	sdelay $0x4  }
0x82: {  	v24 =	vshll.u32 v3, $0x1  }
0x83: {  	v3 =	vand.u32 $0x7, v3;
	v4 =	vand.u32 $0xFFFFFFF0, v24  }
0x84: {  	v3 =	vor.u32 v3, v4  }
0x85: {  	v4 =	vperm.xlane v3, v0;
	_ =	sdelay $0x1  }
0x86: {  	v3 =	vperm.xlane v3, v2;
	v4 =	vadd.s32 v1, v4;
	_ =	sdelay $0x1  }
0x87: {  	v3 =	vadd.s32 v1, v3;
	_ =	sdelay $0x2  }
0x88: {  	[tilespmem:s22], [sflag:$0x2] =	stream.indirect_vreg.gather [hbm4b:s1+s3], $0x80, v4, vm0, $0xb8;
	[tilespmem:$0x1C400] =	vst v63  }
0x89: {  	_ = 	snop  }
0x8a: {  	[tilespmem:s23], [sflag:$0x2] =	stream.indirect_vreg.gather [hbm4b:s1+s3], $0x80, v3, vm0, $0xb8;
	[tilespmem:$0x1C400] =	vst v63  }
0x8b: {  	v3 =	vld [tilespmem:$0xB0];
	_ =	sdelay $0x4  }
0x8c: {  	v25 =	vshll.u32 v3, $0x1  }
0x8d: {  	v3 =	vand.u32 $0x7, v3;
	v4 =	vand.u32 $0xFFFFFFF0, v25  }
0x8e: {  	v3 =	vor.u32 v3, v4  }
0x8f: {  	v4 =	vperm.xlane v3, v0;
	_ =	sdelay $0x1  }
0x90: {  	v3 =	vperm.xlane v3, v2;
	v4 =	vadd.s32 v1, v4;
	_ =	sdelay $0x1  }
0x91: {  	v3 =	vadd.s32 v1, v3;
	_ =	sdelay $0x2  }
0x92: {  	[tilespmem:s28], [sflag:$0x2] =	stream.indirect_vreg.gather [hbm4b:s1+s3], $0x80, v4, vm0, $0xb8;
	[tilespmem:$0x1C400] =	vst v63  }
0x93: {  	s30 =	simm.s32 $0xAC00  }
0x94: {  	[tilespmem:s30], [sflag:$0x2] =	stream.indirect_vreg.gather [hbm4b:s1+s3], $0x80, v3, vm0, $0xb8;
	[tilespmem:$0x1C400] =	vst v63  }
0x95: {  	v3 =	vld [tilespmem:$0xC0];
	_ =	sdelay $0x4  }
0x96: {  	v26 =	vshll.u32 v3, $0x1  }
0x97: {  	v3 =	vand.u32 $0x7, v3;
	v4 =	vand.u32 $0xFFFFFFF0, v26  }
0x98: {  	v3 =	vor.u32 v3, v4  }
0x99: {  	v4 =	vperm.xlane v3, v0;
	_ =	sdelay $0x1  }
0x9a: {  	v3 =	vperm.xlane v3, v2;
	v4 =	vadd.s32 v1, v4;
	_ =	sdelay $0x1  }
0x9b: {  	v3 =	vadd.s32 v1, v3;
	_ =	sdelay $0x2  }
0x9c: {  	[tilespmem:s20], [sflag:$0x2] =	stream.indirect_vreg.gather [hbm4b:s1+s3], $0x80, v4, vm0, $0xb8;
	[tilespmem:$0x1C400] =	vst v63  }
0x9d: {  	s29 =	simm.s32 $0xBC00  }
0x9e: {  	[tilespmem:s29], [sflag:$0x2] =	stream.indirect_vreg.gather [hbm4b:s1+s3], $0x80, v3, vm0, $0xb8;
	[tilespmem:$0x1C400] =	vst v63  }
0x9f: {  	v3 =	vld [tilespmem:$0xD0];
	_ =	sdelay $0x4  }
0xa0: {  	v27 =	vshll.u32 v3, $0x1  }
0xa1: {  	v3 =	vand.u32 $0x7, v3;
	v4 =	vand.u32 $0xFFFFFFF0, v27  }
0xa2: {  	v3 =	vor.u32 v3, v4  }
0xa3: {  	v4 =	vperm.xlane v3, v0;
	_ =	sdelay $0x1  }
0xa4: {  	v3 =	vperm.xlane v3, v2;
	v4 =	vadd.s32 v1, v4;
	_ =	sdelay $0x1  }
0xa5: {  	v3 =	vadd.s32 v1, v3;
	_ =	sdelay $0x1  }
0xa6: {  	s30 =	simm.s32 $0xC400  }
0xa7: {  	[tilespmem:s30], [sflag:$0x2] =	stream.indirect_vreg.gather [hbm4b:s1+s3], $0x80, v4, vm0, $0xb8;
	[tilespmem:$0x1C400] =	vst v63  }
0xa8: {  	s29 =	simm.s32 $0xCC00  }
0xa9: {  	[tilespmem:s29], [sflag:$0x2] =	stream.indirect_vreg.gather [hbm4b:s1+s3], $0x80, v3, vm0, $0xb8;
	[tilespmem:$0x1C400] =	vst v63  }
0xaa: {  	v3 =	vld [tilespmem:$0xE0];
	_ =	sdelay $0x4  }
0xab: {  	v28 =	vshll.u32 v3, $0x1  }
0xac: {  	v3 =	vand.u32 $0x7, v3;
	v4 =	vand.u32 $0xFFFFFFF0, v28  }
0xad: {  	v3 =	vor.u32 v3, v4  }
0xae: {  	v4 =	vperm.xlane v3, v0;
	_ =	sdelay $0x1  }
0xaf: {  	v3 =	vperm.xlane v3, v2;
	v4 =	vadd.s32 v1, v4;
	_ =	sdelay $0x1  }
0xb0: {  	v3 =	vadd.s32 v1, v3;
	_ =	sdelay $0x1  }
0xb1: {  	s30 =	simm.s32 $0xD400  }
0xb2: {  	[tilespmem:s30], [sflag:$0x2] =	stream.indirect_vreg.gather [hbm4b:s1+s3], $0x80, v4, vm0, $0xb8;
	[tilespmem:$0x1C400] =	vst v63  }
0xb3: {  	s29 =	simm.s32 $0xDC00  }
0xb4: {  	[tilespmem:s29], [sflag:$0x2] =	stream.indirect_vreg.gather [hbm4b:s1+s3], $0x80, v3, vm0, $0xb8;
	[tilespmem:$0x1C400] =	vst v63  }
0xb5: {  	v3 =	vld [tilespmem:$0x100];
	_ =	sdelay $0x4  }
0xb6: {  	v29 =	vshll.u32 v3, $0x1  }
0xb7: {  	v3 =	vand.u32 $0x7, v3;
	v4 =	vand.u32 $0xFFFFFFF0, v29  }
0xb8: {  	v3 =	vor.u32 v3, v4  }
0xb9: {  	v4 =	vperm.xlane v3, v0;
	_ =	sdelay $0x1  }
0xba: {  	v3 =	vperm.xlane v3, v2;
	v4 =	vadd.s32 v1, v4;
	_ =	sdelay $0x1  }
0xbb: {  	v3 =	vadd.s32 v1, v3;
	_ =	sdelay $0x1  }
0xbc: {  	s0 =	simm.s32 $0xE400  }
0xbd: {  	[tilespmem:s0], [sflag:$0x3] =	stream.indirect_vreg.gather [hbm4b:s1+s3], $0x80, v4, vm0, $0xb8;
	[tilespmem:$0x1C400] =	vst v63  }
0xbe: {  	s30 =	simm.s32 $0xEC00  }
0xbf: {  	[tilespmem:s30], [sflag:$0x3] =	stream.indirect_vreg.gather [hbm4b:s1+s3], $0x80, v3, vm0, $0xb8;
	[tilespmem:$0x1C400] =	vst v63  }
0xc0: {  	v3 =	vld [tilespmem:$0x110];
	_ =	sdelay $0x4  }
0xc1: {  	v30 =	vshll.u32 v3, $0x1  }
0xc2: {  	v3 =	vand.u32 $0x7, v3;
	v4 =	vand.u32 $0xFFFFFFF0, v30  }
0xc3: {  	v3 =	vor.u32 v3, v4  }
0xc4: {  	v4 =	vperm.xlane v3, v0;
	_ =	sdelay $0x1  }
0xc5: {  	v3 =	vperm.xlane v3, v2;
	v4 =	vadd.s32 v1, v4;
	_ =	sdelay $0x1  }
0xc6: {  	v3 =	vadd.s32 v1, v3;
	_ =	sdelay $0x1  }
0xc7: {  	s30 =	simm.s32 $0xF400  }
0xc8: {  	[tilespmem:s30], [sflag:$0x3] =	stream.indirect_vreg.gather [hbm4b:s1+s3], $0x80, v4, vm0, $0xb8;
	[tilespmem:$0x1C400] =	vst v63  }
0xc9: {  	s30 =	simm.s32 $0xFC00  }
0xca: {  	[tilespmem:s30], [sflag:$0x3] =	stream.indirect_vreg.gather [hbm4b:s1+s3], $0x80, v3, vm0, $0xb8;
	[tilespmem:$0x1C400] =	vst v63  }
0xcb: {  	v3 =	vld [tilespmem:$0x120];
	_ =	sdelay $0x4  }
0xcc: {  	v31 =	vshll.u32 v3, $0x1  }
0xcd: {  	v3 =	vand.u32 $0x7, v3;
	v4 =	vand.u32 $0xFFFFFFF0, v31  }
0xce: {  	v3 =	vor.u32 v3, v4  }
0xcf: {  	v4 =	vperm.xlane v3, v0;
	_ =	sdelay $0x1  }
0xd0: {  	v3 =	vperm.xlane v3, v2;
	v4 =	vadd.s32 v1, v4;
	_ =	sdelay $0x1  }
0xd1: {  	v3 =	vadd.s32 v1, v3;
	_ =	sdelay $0x1  }
0xd2: {  	s30 =	simm.s32 $0x10400  }
0xd3: {  	[tilespmem:s30], [sflag:$0x3] =	stream.indirect_vreg.gather [hbm4b:s1+s3], $0x80, v4, vm0, $0xb8;
	[tilespmem:$0x1C400] =	vst v63  }
0xd4: {  	s30 =	simm.s32 $0x10C00  }
0xd5: {  	[tilespmem:s30], [sflag:$0x3] =	stream.indirect_vreg.gather [hbm4b:s1+s3], $0x80, v3, vm0, $0xb8;
	[tilespmem:$0x1C400] =	vst v63  }
0xd6: {  	v3 =	vld [tilespmem:$0x130];
	_ =	sdelay $0x4  }
0xd7: {  	v32 =	vshll.u32 v3, $0x1  }
0xd8: {  	v3 =	vand.u32 $0x7, v3;
	v4 =	vand.u32 $0xFFFFFFF0, v32  }
0xd9: {  	v3 =	vor.u32 v3, v4  }
0xda: {  	v4 =	vperm.xlane v3, v0;
	_ =	sdelay $0x1  }
0xdb: {  	v3 =	vperm.xlane v3, v2;
	v4 =	vadd.s32 v1, v4;
	_ =	sdelay $0x1  }
0xdc: {  	v3 =	vadd.s32 v1, v3;
	_ =	sdelay $0x1  }
0xdd: {  	s30 =	simm.s32 $0x11400  }
0xde: {  	[tilespmem:s30], [sflag:$0x3] =	stream.indirect_vreg.gather [hbm4b:s1+s3], $0x80, v4, vm0, $0xb8;
	[tilespmem:$0x1C400] =	vst v63  }
0xdf: {  	s30 =	simm.s32 $0x11C00  }
0xe0: {  	[tilespmem:s30], [sflag:$0x3] =	stream.indirect_vreg.gather [hbm4b:s1+s3], $0x80, v3, vm0, $0xb8;
	[tilespmem:$0x1C400] =	vst v63  }
0xe1: {  	v3 =	vld [tilespmem:$0x140];
	_ =	sdelay $0x4  }
0xe2: {  	v33 =	vshll.u32 v3, $0x1  }
0xe3: {  	v3 =	vand.u32 $0x7, v3;
	v4 =	vand.u32 $0xFFFFFFF0, v33  }
0xe4: {  	v3 =	vor.u32 v3, v4  }
0xe5: {  	v4 =	vperm.xlane v3, v0;
	_ =	sdelay $0x1  }
0xe6: {  	v3 =	vperm.xlane v3, v2;
	v4 =	vadd.s32 v1, v4;
	_ =	sdelay $0x1  }
0xe7: {  	v3 =	vadd.s32 v1, v3;
	_ =	sdelay $0x1  }
0xe8: {  	s30 =	simm.s32 $0x12400  }
0xe9: {  	[tilespmem:s30], [sflag:$0x3] =	stream.indirect_vreg.gather [hbm4b:s1+s3], $0x80, v4, vm0, $0xb8;
	[tilespmem:$0x1C400] =	vst v63  }
0xea: {  	s30 =	simm.s32 $0x12C00  }
0xeb: {  	[tilespmem:s30], [sflag:$0x3] =	stream.indirect_vreg.gather [hbm4b:s1+s3], $0x80, v3, vm0, $0xb8;
	[tilespmem:$0x1C400] =	vst v63  }
0xec: {  	v3 =	vld [tilespmem:$0x150];
	_ =	sdelay $0x4  }
0xed: {  	v34 =	vshll.u32 v3, $0x1  }
0xee: {  	v3 =	vand.u32 $0x7, v3;
	v4 =	vand.u32 $0xFFFFFFF0, v34  }
0xef: {  	v3 =	vor.u32 v3, v4  }
0xf0: {  	v4 =	vperm.xlane v3, v0;
	_ =	sdelay $0x1  }
0xf1: {  	v3 =	vperm.xlane v3, v2;
	v4 =	vadd.s32 v1, v4;
	_ =	sdelay $0x1  }
0xf2: {  	v3 =	vadd.s32 v1, v3;
	_ =	sdelay $0x1  }
0xf3: {  	s30 =	simm.s32 $0x13400  }
0xf4: {  	[tilespmem:s30], [sflag:$0x3] =	stream.indirect_vreg.gather [hbm4b:s1+s3], $0x80, v4, vm0, $0xb8;
	[tilespmem:$0x1C400] =	vst v63  }
0xf5: {  	s30 =	simm.s32 $0x13C00  }
0xf6: {  	[tilespmem:s30], [sflag:$0x3] =	stream.indirect_vreg.gather [hbm4b:s1+s3], $0x80, v3, vm0, $0xb8;
	[tilespmem:$0x1C400] =	vst v63  }
0xf7: {  	v3 =	vld [tilespmem:$0x160];
	_ =	sdelay $0x4  }
0xf8: {  	v35 =	vshll.u32 v3, $0x1  }
0xf9: {  	v3 =	vand.u32 $0x7, v3;
	v4 =	vand.u32 $0xFFFFFFF0, v35  }
0xfa: {  	v3 =	vor.u32 v3, v4  }
0xfb: {  	v4 =	vperm.xlane v3, v0;
	_ =	sdelay $0x1  }
0xfc: {  	v3 =	vperm.xlane v3, v2;
	v4 =	vadd.s32 v1, v4;
	_ =	sdelay $0x1  }
0xfd: {  	v3 =	vadd.s32 v1, v3;
	_ =	sdelay $0x1  }
0xfe: {  	s30 =	simm.s32 $0x14400  }
0xff: {  	[tilespmem:s30], [sflag:$0x3] =	stream.indirect_vreg.gather [hbm4b:s1+s3], $0x80, v4, vm0, $0xb8;
	[tilespmem:$0x1C400] =	vst v63  }
0x100: {  	s30 =	simm.s32 $0x14C00  }
0x101: {  	[tilespmem:s30], [sflag:$0x3] =	stream.indirect_vreg.gather [hbm4b:s1+s3], $0x80, v3, vm0, $0xb8;
	[tilespmem:$0x1C400] =	vst v63  }
0x102: {  	v3 =	vld [tilespmem:$0x180];
	_ =	sdelay $0x4  }
0x103: {  	v36 =	vshll.u32 v3, $0x1  }
0x104: {  	v3 =	vand.u32 $0x7, v3;
	v4 =	vand.u32 $0xFFFFFFF0, v36  }
0x105: {  	v3 =	vor.u32 v3, v4  }
0x106: {  	v4 =	vperm.xlane v3, v0;
	_ =	sdelay $0x1  }
0x107: {  	v3 =	vperm.xlane v3, v2;
	v4 =	vadd.s32 v1, v4;
	_ =	sdelay $0x1  }
0x108: {  	v3 =	vadd.s32 v1, v3;
	_ =	sdelay $0x1  }
0x109: {  	s30 =	simm.s32 $0x15400  }
0x10a: {  	[tilespmem:s30], [sflag:$0x4] =	stream.indirect_vreg.gather [hbm4b:s1+s3], $0x80, v4, vm0, $0xb8;
	[tilespmem:$0x1C400] =	vst v63  }
0x10b: {  	s29 =	rddreg [dreg:$0xc]  }
0x10c: {  	[tilespmem:s29], [sflag:$0x4] =	stream.indirect_vreg.gather [hbm4b:s1+s3], $0x80, v3, vm0, $0xb8;
	[tilespmem:$0x1C400] =	vst v63  }
0x10d: {  	v3 =	vld [tilespmem:$0x190];
	_ =	sdelay $0x4  }
0x10e: {  	v37 =	vshll.u32 v3, $0x1  }
0x10f: {  	v3 =	vand.u32 $0x7, v3;
	v4 =	vand.u32 $0xFFFFFFF0, v37  }
0x110: {  	v3 =	vor.u32 v3, v4  }
0x111: {  	v4 =	vperm.xlane v3, v0;
	_ =	sdelay $0x1  }
0x112: {  	v3 =	vperm.xlane v3, v2;
	v4 =	vadd.s32 v1, v4;
	_ =	sdelay $0x1  }
0x113: {  	v3 =	vadd.s32 v1, v3;
	_ =	sdelay $0x1  }
0x114: {  	s29 =	rddreg [dreg:$0xd]  }
0x115: {  	[tilespmem:s29], [sflag:$0x4] =	stream.indirect_vreg.gather [hbm4b:s1+s3], $0x80, v4, vm0, $0xb8;
	[tilespmem:$0x1C400] =	vst v63  }
0x116: {  	s30 =	rddreg [dreg:$0xe]  }
0x117: {  	[tilespmem:s30], [sflag:$0x4] =	stream.indirect_vreg.gather [hbm4b:s1+s3], $0x80, v3, vm0, $0xb8;
	[tilespmem:$0x1C400] =	vst v63  }
0x118: {  	v3 =	vld [tilespmem:$0x1A0];
	_ =	sdelay $0x4  }
0x119: {  	v38 =	vshll.u32 v3, $0x1  }
0x11a: {  	v3 =	vand.u32 $0x7, v3;
	v4 =	vand.u32 $0xFFFFFFF0, v38  }
0x11b: {  	v3 =	vor.u32 v3, v4  }
0x11c: {  	v4 =	vperm.xlane v3, v0;
	_ =	sdelay $0x1  }
0x11d: {  	v3 =	vperm.xlane v3, v2;
	v4 =	vadd.s32 v1, v4;
	_ =	sdelay $0x1  }
0x11e: {  	v3 =	vadd.s32 v1, v3;
	_ =	sdelay $0x1  }
0x11f: {  	s29 =	rddreg [dreg:$0xf]  }
0x120: {  	[tilespmem:s29], [sflag:$0x4] =	stream.indirect_vreg.gather [hbm4b:s1+s3], $0x80, v4, vm0, $0xb8;
	[tilespmem:$0x1C400] =	vst v63  }
0x121: {  	s30 =	rddreg [dreg:$0x10]  }
0x122: {  	[tilespmem:s30], [sflag:$0x4] =	stream.indirect_vreg.gather [hbm4b:s1+s3], $0x80, v3, vm0, $0xb8;
	[tilespmem:$0x1C400] =	vst v63  }
0x123: {  	v3 =	vld [tilespmem:$0x1B0];
	_ =	sdelay $0x4  }
0x124: {  	v39 =	vshll.u32 v3, $0x1  }
0x125: {  	v3 =	vand.u32 $0x7, v3;
	v4 =	vand.u32 $0xFFFFFFF0, v39  }
0x126: {  	v3 =	vor.u32 v3, v4  }
0x127: {  	v4 =	vperm.xlane v3, v0;
	_ =	sdelay $0x1  }
0x128: {  	v3 =	vperm.xlane v3, v2;
	v4 =	vadd.s32 v1, v4;
	_ =	sdelay $0x1  }
0x129: {  	v3 =	vadd.s32 v1, v3;
	_ =	sdelay $0x1  }
0x12a: {  	s29 =	rddreg [dreg:$0x11]  }
0x12b: {  	[tilespmem:s29], [sflag:$0x4] =	stream.indirect_vreg.gather [hbm4b:s1+s3], $0x80, v4, vm0, $0xb8;
	[tilespmem:$0x1C400] =	vst v63  }
0x12c: {  	s30 =	rddreg [dreg:$0x12]  }
0x12d: {  	[tilespmem:s30], [sflag:$0x4] =	stream.indirect_vreg.gather [hbm4b:s1+s3], $0x80, v3, vm0, $0xb8;
	[tilespmem:$0x1C400] =	vst v63  }
0x12e: {  	v3 =	vld [tilespmem:$0x1C0];
	_ =	sdelay $0x4  }
0x12f: {  	v40 =	vshll.u32 v3, $0x1  }
0x130: {  	v3 =	vand.u32 $0x7, v3;
	v4 =	vand.u32 $0xFFFFFFF0, v40  }
0x131: {  	v3 =	vor.u32 v3, v4  }
0x132: {  	v4 =	vperm.xlane v3, v0;
	_ =	sdelay $0x1  }
0x133: {  	v3 =	vperm.xlane v3, v2;
	v4 =	vadd.s32 v1, v4;
	_ =	sdelay $0x1  }
0x134: {  	v3 =	vadd.s32 v1, v3;
	_ =	sdelay $0x1  }
0x135: {  	s29 =	rddreg [dreg:$0x13]  }
0x136: {  	[tilespmem:s29], [sflag:$0x4] =	stream.indirect_vreg.gather [hbm4b:s1+s3], $0x80, v4, vm0, $0xb8;
	[tilespmem:$0x1C400] =	vst v63  }
0x137: {  	s30 =	rddreg [dreg:$0x14]  }
0x138: {  	[tilespmem:s30], [sflag:$0x4] =	stream.indirect_vreg.gather [hbm4b:s1+s3], $0x80, v3, vm0, $0xb8;
	[tilespmem:$0x1C400] =	vst v63  }
0x139: {  	v3 =	vld [tilespmem:$0x1D0];
	_ =	sdelay $0x4  }
0x13a: {  	v41 =	vshll.u32 v3, $0x1  }
0x13b: {  	v3 =	vand.u32 $0x7, v3;
	v4 =	vand.u32 $0xFFFFFFF0, v41  }
0x13c: {  	v3 =	vor.u32 v3, v4  }
0x13d: {  	v4 =	vperm.xlane v3, v0;
	_ =	sdelay $0x1  }
0x13e: {  	v3 =	vperm.xlane v3, v2;
	v4 =	vadd.s32 v1, v4;
	_ =	sdelay $0x1  }
0x13f: {  	v3 =	vadd.s32 v1, v3;
	_ =	sdelay $0x1  }
0x140: {  	s29 =	rddreg [dreg:$0x15]  }
0x141: {  	[tilespmem:s29], [sflag:$0x4] =	stream.indirect_vreg.gather [hbm4b:s1+s3], $0x80, v4, vm0, $0xb8;
	[tilespmem:$0x1C400] =	vst v63  }
0x142: {  	s30 =	rddreg [dreg:$0x16]  }
0x143: {  	[tilespmem:s30], [sflag:$0x4] =	stream.indirect_vreg.gather [hbm4b:s1+s3], $0x80, v3, vm0, $0xb8;
	[tilespmem:$0x1C400] =	vst v63  }
0x144: {  	v3 =	vld [tilespmem:$0x1E0];
	_ =	sdelay $0x4  }
0x145: {  	v42 =	vshll.u32 v3, $0x1  }
0x146: {  	v3 =	vand.u32 $0x7, v3;
	v4 =	vand.u32 $0xFFFFFFF0, v42  }
0x147: {  	v3 =	vor.u32 v3, v4  }
0x148: {  	v4 =	vperm.xlane v3, v0;
	_ =	sdelay $0x1  }
0x149: {  	v3 =	vperm.xlane v3, v2;
	v4 =	vadd.s32 v1, v4;
	_ =	sdelay $0x1  }
0x14a: {  	v3 =	vadd.s32 v1, v3;
	_ =	sdelay $0x1  }
0x14b: {  	s29 =	rddreg [dreg:$0x17]  }
0x14c: {  	[tilespmem:s29], [sflag:$0x4] =	stream.indirect_vreg.gather [hbm4b:s1+s3], $0x80, v4, vm0, $0xb8;
	[tilespmem:$0x1C400] =	vst v63  }
0x14d: {  	s30 =	rddreg [dreg:$0x18]  }
0x14e: {  	[tilespmem:s30], [sflag:$0x4] =	stream.indirect_vreg.gather [hbm4b:s1+s3], $0x80, v3, vm0, $0xb8;
	[tilespmem:$0x1C400] =	vst v63  }
0x14f: {  	_ =	swait.ge [sflag:s24], $0x7000  }
0x150: {  	[sflag:s24] =	ssyncset.done $0x0  }
0x151: {  	s30 =	simm.s32 $0x400;
	s29 =	rddreg [dreg:$0x5];
	[sflag:s24] =	ssyncadd.s32 $0xFFFF9000  }
0x152: {  	[hbm4b:s29+s3] =	stream.linear.scatter [tilespmem:s30], [sflag:$0x5], $0x7000, $0x38;
	[tilespmem:$0x1C400] =	vst v63  }
0x153: {  	_ =	swait.ge [sflag:s5], $0x7000  }
0x154: {  	[sflag:s5] =	ssyncset.done $0x0  }
0x155: {  	[sflag:s5] =	ssyncadd.s32 $0xFFFF9000  }
0x156: {  	v3 =	vld [tilespmem:$0x200];
	_ =	sdelay $0x4  }
0x157: {  	v43 =	vshll.u32 v3, $0x1  }
0x158: {  	v3 =	vand.u32 $0x7, v3;
	v4 =	vand.u32 $0xFFFFFFF0, v43  }
0x159: {  	v3 =	vor.u32 v3, v4  }
0x15a: {  	v4 =	vperm.xlane v3, v0;
	_ =	sdelay $0x1  }
0x15b: {  	v3 =	vperm.xlane v3, v2;
	v4 =	vadd.s32 v1, v4;
	_ =	sdelay $0x1  }
0x15c: {  	v3 =	vadd.s32 v1, v3;
	_ =	sdelay $0x2  }
0x15d: {  	[tilespmem:s30], [sflag:$0x1] =	stream.indirect_vreg.gather [hbm4b:s1+s3], $0x80, v4, vm0, $0xb8;
	[tilespmem:$0x1C400] =	vst v63  }
0x15e: {  	_ = 	snop  }
0x15f: {  	[tilespmem:s31], [sflag:$0x1] =	stream.indirect_vreg.gather [hbm4b:s1+s3], $0x80, v3, vm0, $0xb8;
	[tilespmem:$0x1C400] =	vst v63  }
0x160: {  	v3 =	vld [tilespmem:$0x210];
	_ =	sdelay $0x4  }
0x161: {  	v44 =	vshll.u32 v3, $0x1  }
0x162: {  	v3 =	vand.u32 $0x7, v3;
	v4 =	vand.u32 $0xFFFFFFF0, v44  }
0x163: {  	v3 =	vor.u32 v3, v4  }
0x164: {  	v4 =	vperm.xlane v3, v0;
	_ =	sdelay $0x1  }
0x165: {  	v3 =	vperm.xlane v3, v2;
	v4 =	vadd.s32 v1, v4;
	_ =	sdelay $0x1  }
0x166: {  	v3 =	vadd.s32 v1, v3;
	_ =	sdelay $0x2  }
0x167: {  	[tilespmem:s2], [sflag:$0x1] =	stream.indirect_vreg.gather [hbm4b:s1+s3], $0x80, v4, vm0, $0xb8;
	[tilespmem:$0x1C400] =	vst v63  }
0x168: {  	_ = 	snop  }
0x169: {  	[tilespmem:s6], [sflag:$0x1] =	stream.indirect_vreg.gather [hbm4b:s1+s3], $0x80, v3, vm0, $0xb8;
	[tilespmem:$0x1C400] =	vst v63  }
0x16a: {  	v3 =	vld [tilespmem:$0x220];
	_ =	sdelay $0x4  }
0x16b: {  	v45 =	vshll.u32 v3, $0x1  }
0x16c: {  	v3 =	vand.u32 $0x7, v3;
	v4 =	vand.u32 $0xFFFFFFF0, v45  }
0x16d: {  	v3 =	vor.u32 v3, v4  }
0x16e: {  	v4 =	vperm.xlane v3, v0;
	_ =	sdelay $0x1  }
0x16f: {  	v3 =	vperm.xlane v3, v2;
	v4 =	vadd.s32 v1, v4;
	_ =	sdelay $0x1  }
0x170: {  	v3 =	vadd.s32 v1, v3;
	_ =	sdelay $0x2  }
0x171: {  	[tilespmem:s7], [sflag:$0x1] =	stream.indirect_vreg.gather [hbm4b:s1+s3], $0x80, v4, vm0, $0xb8;
	[tilespmem:$0x1C400] =	vst v63  }
0x172: {  	_ = 	snop  }
0x173: {  	[tilespmem:s9], [sflag:$0x1] =	stream.indirect_vreg.gather [hbm4b:s1+s3], $0x80, v3, vm0, $0xb8;
	[tilespmem:$0x1C400] =	vst v63  }
0x174: {  	v3 =	vld [tilespmem:$0x230];
	_ =	sdelay $0x4  }
0x175: {  	v46 =	vshll.u32 v3, $0x1  }
0x176: {  	v3 =	vand.u32 $0x7, v3;
	v4 =	vand.u32 $0xFFFFFFF0, v46  }
0x177: {  	v3 =	vor.u32 v3, v4  }
0x178: {  	v4 =	vperm.xlane v3, v0;
	_ =	sdelay $0x1  }
0x179: {  	v3 =	vperm.xlane v3, v2;
	v4 =	vadd.s32 v1, v4;
	_ =	sdelay $0x1  }
0x17a: {  	v3 =	vadd.s32 v1, v3;
	_ =	sdelay $0x2  }
0x17b: {  	[tilespmem:s10], [sflag:$0x1] =	stream.indirect_vreg.gather [hbm4b:s1+s3], $0x80, v4, vm0, $0xb8;
	[tilespmem:$0x1C400] =	vst v63  }
0x17c: {  	_ = 	snop  }
0x17d: {  	[tilespmem:s11], [sflag:$0x1] =	stream.indirect_vreg.gather [hbm4b:s1+s3], $0x80, v3, vm0, $0xb8;
	[tilespmem:$0x1C400] =	vst v63  }
0x17e: {  	v3 =	vld [tilespmem:$0x240];
	_ =	sdelay $0x4  }
0x17f: {  	v47 =	vshll.u32 v3, $0x1  }
0x180: {  	v3 =	vand.u32 $0x7, v3;
	v4 =	vand.u32 $0xFFFFFFF0, v47  }
0x181: {  	v3 =	vor.u32 v3, v4  }
0x182: {  	v4 =	vperm.xlane v3, v0;
	_ =	sdelay $0x1  }
0x183: {  	v3 =	vperm.xlane v3, v2;
	v4 =	vadd.s32 v1, v4;
	_ =	sdelay $0x1  }
0x184: {  	v3 =	vadd.s32 v1, v3;
	_ =	sdelay $0x2  }
0x185: {  	[tilespmem:s12], [sflag:$0x1] =	stream.indirect_vreg.gather [hbm4b:s1+s3], $0x80, v4, vm0, $0xb8;
	[tilespmem:$0x1C400] =	vst v63  }
0x186: {  	_ = 	snop  }
0x187: {  	[tilespmem:s13], [sflag:$0x1] =	stream.indirect_vreg.gather [hbm4b:s1+s3], $0x80, v3, vm0, $0xb8;
	[tilespmem:$0x1C400] =	vst v63  }
0x188: {  	v3 =	vld [tilespmem:$0x250];
	_ =	sdelay $0x4  }
0x189: {  	v48 =	vshll.u32 v3, $0x1  }
0x18a: {  	v3 =	vand.u32 $0x7, v3;
	v4 =	vand.u32 $0xFFFFFFF0, v48  }
0x18b: {  	v3 =	vor.u32 v3, v4  }
0x18c: {  	v4 =	vperm.xlane v3, v0;
	_ =	sdelay $0x1  }
0x18d: {  	v3 =	vperm.xlane v3, v2;
	v4 =	vadd.s32 v1, v4;
	_ =	sdelay $0x1  }
0x18e: {  	v3 =	vadd.s32 v1, v3;
	_ =	sdelay $0x2  }
0x18f: {  	[tilespmem:s14], [sflag:$0x1] =	stream.indirect_vreg.gather [hbm4b:s1+s3], $0x80, v4, vm0, $0xb8;
	[tilespmem:$0x1C400] =	vst v63  }
0x190: {  	_ = 	snop  }
0x191: {  	[tilespmem:s15], [sflag:$0x1] =	stream.indirect_vreg.gather [hbm4b:s1+s3], $0x80, v3, vm0, $0xb8;
	[tilespmem:$0x1C400] =	vst v63  }
0x192: {  	v3 =	vld [tilespmem:$0x260];
	_ =	sdelay $0x4  }
0x193: {  	v49 =	vshll.u32 v3, $0x1  }
0x194: {  	v3 =	vand.u32 $0x7, v3;
	v4 =	vand.u32 $0xFFFFFFF0, v49  }
0x195: {  	v3 =	vor.u32 v3, v4  }
0x196: {  	v4 =	vperm.xlane v3, v0;
	_ =	sdelay $0x1  }
0x197: {  	v3 =	vperm.xlane v3, v2;
	v4 =	vadd.s32 v1, v4;
	_ =	sdelay $0x1  }
0x198: {  	v3 =	vadd.s32 v1, v3;
	_ =	sdelay $0x2  }
0x199: {  	[tilespmem:s16], [sflag:$0x1] =	stream.indirect_vreg.gather [hbm4b:s1+s3], $0x80, v4, vm0, $0xb8;
	[tilespmem:$0x1C400] =	vst v63  }
0x19a: {  	_ = 	snop  }
0x19b: {  	[tilespmem:s17], [sflag:$0x1] =	stream.indirect_vreg.gather [hbm4b:s1+s3], $0x80, v3, vm0, $0xb8;
	[tilespmem:$0x1C400] =	vst v63  }
0x19c: {  	_ =	swait.ge [sflag:s25], $0x7000  }
0x19d: {  	[sflag:s25] =	ssyncset.done $0x0  }
0x19e: {  	s2 =	rddreg [dreg:$0x6];
	[sflag:s25] =	ssyncadd.s32 $0xFFFF9000  }
0x19f: {  	[hbm4b:s2+s3] =	stream.linear.scatter [tilespmem:s8], [sflag:$0x5], $0x7000, $0x38;
	[tilespmem:$0x1C400] =	vst v63  }
0x1a0: {  	_ =	swait.ge [sflag:s5], $0x7000  }
0x1a1: {  	[sflag:s5] =	ssyncset.done $0x0  }
0x1a2: {  	[sflag:s5] =	ssyncadd.s32 $0xFFFF9000  }
0x1a3: {  	v3 =	vld [tilespmem:$0x280];
	_ =	sdelay $0x4  }
0x1a4: {  	v50 =	vshll.u32 v3, $0x1  }
0x1a5: {  	v3 =	vand.u32 $0x7, v3;
	v4 =	vand.u32 $0xFFFFFFF0, v50  }
0x1a6: {  	v3 =	vor.u32 v3, v4  }
0x1a7: {  	v4 =	vperm.xlane v3, v0;
	_ =	sdelay $0x1  }
0x1a8: {  	v3 =	vperm.xlane v3, v2;
	v4 =	vadd.s32 v1, v4;
	_ =	sdelay $0x1  }
0x1a9: {  	v3 =	vadd.s32 v1, v3;
	_ =	sdelay $0x2  }
0x1aa: {  	[tilespmem:s8], [sflag:$0x2] =	stream.indirect_vreg.gather [hbm4b:s1+s3], $0x80, v4, vm0, $0xb8;
	[tilespmem:$0x1C400] =	vst v63  }
0x1ab: {  	_ = 	snop  }
0x1ac: {  	[tilespmem:s18], [sflag:$0x2] =	stream.indirect_vreg.gather [hbm4b:s1+s3], $0x80, v3, vm0, $0xb8;
	[tilespmem:$0x1C400] =	vst v63  }
0x1ad: {  	v3 =	vld [tilespmem:$0x290];
	_ =	sdelay $0x4  }
0x1ae: {  	v51 =	vshll.u32 v3, $0x1  }
0x1af: {  	v3 =	vand.u32 $0x7, v3;
	v4 =	vand.u32 $0xFFFFFFF0, v51  }
0x1b0: {  	v3 =	vor.u32 v3, v4  }
0x1b1: {  	v4 =	vperm.xlane v3, v0;
	_ =	sdelay $0x1  }
0x1b2: {  	v3 =	vperm.xlane v3, v2;
	v4 =	vadd.s32 v1, v4;
	_ =	sdelay $0x1  }
0x1b3: {  	v3 =	vadd.s32 v1, v3;
	_ =	sdelay $0x2  }
0x1b4: {  	[tilespmem:s19], [sflag:$0x2] =	stream.indirect_vreg.gather [hbm4b:s1+s3], $0x80, v4, vm0, $0xb8;
	[tilespmem:$0x1C400] =	vst v63  }
0x1b5: {  	_ = 	snop  }
0x1b6: {  	[tilespmem:s21], [sflag:$0x2] =	stream.indirect_vreg.gather [hbm4b:s1+s3], $0x80, v3, vm0, $0xb8;
	[tilespmem:$0x1C400] =	vst v63  }
0x1b7: {  	v3 =	vld [tilespmem:$0x2A0];
	_ =	sdelay $0x4  }
0x1b8: {  	v52 =	vshll.u32 v3, $0x1  }
0x1b9: {  	v3 =	vand.u32 $0x7, v3;
	v4 =	vand.u32 $0xFFFFFFF0, v52  }
0x1ba: {  	v3 =	vor.u32 v3, v4  }
0x1bb: {  	v4 =	vperm.xlane v3, v0;
	_ =	sdelay $0x1  }
0x1bc: {  	v3 =	vperm.xlane v3, v2;
	v4 =	vadd.s32 v1, v4;
	_ =	sdelay $0x1  }
0x1bd: {  	v3 =	vadd.s32 v1, v3;
	_ =	sdelay $0x2  }
0x1be: {  	[tilespmem:s22], [sflag:$0x2] =	stream.indirect_vreg.gather [hbm4b:s1+s3], $0x80, v4, vm0, $0xb8;
	[tilespmem:$0x1C400] =	vst v63  }
0x1bf: {  	_ = 	snop  }
0x1c0: {  	[tilespmem:s23], [sflag:$0x2] =	stream.indirect_vreg.gather [hbm4b:s1+s3], $0x80, v3, vm0, $0xb8;
	[tilespmem:$0x1C400] =	vst v63  }
0x1c1: {  	v3 =	vld [tilespmem:$0x2B0];
	_ =	sdelay $0x4  }
0x1c2: {  	v53 =	vshll.u32 v3, $0x1  }
0x1c3: {  	v3 =	vand.u32 $0x7, v3;
	v4 =	vand.u32 $0xFFFFFFF0, v53  }
0x1c4: {  	v3 =	vor.u32 v3, v4  }
0x1c5: {  	v4 =	vperm.xlane v3, v0;
	_ =	sdelay $0x1  }
0x1c6: {  	v3 =	vperm.xlane v3, v2;
	v4 =	vadd.s32 v1, v4;
	_ =	sdelay $0x1  }
0x1c7: {  	v3 =	vadd.s32 v1, v3;
	_ =	sdelay $0x2  }
0x1c8: {  	[tilespmem:s28], [sflag:$0x2] =	stream.indirect_vreg.gather [hbm4b:s1+s3], $0x80, v4, vm0, $0xb8;
	[tilespmem:$0x1C400] =	vst v63  }
0x1c9: {  	s29 =	simm.s32 $0xAC00  }
0x1ca: {  	[tilespmem:s29], [sflag:$0x2] =	stream.indirect_vreg.gather [hbm4b:s1+s3], $0x80, v3, vm0, $0xb8;
	[tilespmem:$0x1C400] =	vst v63  }
0x1cb: {  	v3 =	vld [tilespmem:$0x2C0];
	_ =	sdelay $0x4  }
0x1cc: {  	v54 =	vshll.u32 v3, $0x1  }
0x1cd: {  	v3 =	vand.u32 $0x7, v3;
	v4 =	vand.u32 $0xFFFFFFF0, v54  }
0x1ce: {  	v3 =	vor.u32 v3, v4  }
0x1cf: {  	v4 =	vperm.xlane v3, v0;
	_ =	sdelay $0x1  }
0x1d0: {  	v3 =	vperm.xlane v3, v2;
	v4 =	vadd.s32 v1, v4;
	_ =	sdelay $0x1  }
0x1d1: {  	v3 =	vadd.s32 v1, v3;
	_ =	sdelay $0x2  }
0x1d2: {  	[tilespmem:s20], [sflag:$0x2] =	stream.indirect_vreg.gather [hbm4b:s1+s3], $0x80, v4, vm0, $0xb8;
	[tilespmem:$0x1C400] =	vst v63  }
0x1d3: {  	s29 =	simm.s32 $0xBC00  }
0x1d4: {  	[tilespmem:s29], [sflag:$0x2] =	stream.indirect_vreg.gather [hbm4b:s1+s3], $0x80, v3, vm0, $0xb8;
	[tilespmem:$0x1C400] =	vst v63  }
0x1d5: {  	v3 =	vld [tilespmem:$0x2D0];
	_ =	sdelay $0x4  }
0x1d6: {  	v55 =	vshll.u32 v3, $0x1  }
0x1d7: {  	v3 =	vand.u32 $0x7, v3;
	v4 =	vand.u32 $0xFFFFFFF0, v55  }
0x1d8: {  	v3 =	vor.u32 v3, v4  }
0x1d9: {  	v4 =	vperm.xlane v3, v0;
	_ =	sdelay $0x1  }
0x1da: {  	v3 =	vperm.xlane v3, v2;
	v4 =	vadd.s32 v1, v4;
	_ =	sdelay $0x1  }
0x1db: {  	v3 =	vadd.s32 v1, v3;
	_ =	sdelay $0x1  }
0x1dc: {  	s29 =	simm.s32 $0xC400  }
0x1dd: {  	[tilespmem:s29], [sflag:$0x2] =	stream.indirect_vreg.gather [hbm4b:s1+s3], $0x80, v4, vm0, $0xb8;
	[tilespmem:$0x1C400] =	vst v63  }
0x1de: {  	s29 =	simm.s32 $0xCC00  }
0x1df: {  	[tilespmem:s29], [sflag:$0x2] =	stream.indirect_vreg.gather [hbm4b:s1+s3], $0x80, v3, vm0, $0xb8;
	[tilespmem:$0x1C400] =	vst v63  }
0x1e0: {  	v3 =	vld [tilespmem:$0x2E0];
	_ =	sdelay $0x4  }
0x1e1: {  	v56 =	vshll.u32 v3, $0x1  }
0x1e2: {  	v3 =	vand.u32 $0x7, v3;
	v4 =	vand.u32 $0xFFFFFFF0, v56  }
0x1e3: {  	v3 =	vor.u32 v3, v4  }
0x1e4: {  	v4 =	vperm.xlane v3, v0;
	_ =	sdelay $0x1  }
0x1e5: {  	v3 =	vperm.xlane v3, v2;
	v4 =	vadd.s32 v1, v4;
	_ =	sdelay $0x1  }
0x1e6: {  	v3 =	vadd.s32 v1, v3;
	_ =	sdelay $0x1  }
0x1e7: {  	s29 =	simm.s32 $0xD400  }
0x1e8: {  	[tilespmem:s29], [sflag:$0x2] =	stream.indirect_vreg.gather [hbm4b:s1+s3], $0x80, v4, vm0, $0xb8;
	[tilespmem:$0x1C400] =	vst v63  }
0x1e9: {  	s29 =	simm.s32 $0xDC00  }
0x1ea: {  	[tilespmem:s29], [sflag:$0x2] =	stream.indirect_vreg.gather [hbm4b:s1+s3], $0x80, v3, vm0, $0xb8;
	[tilespmem:$0x1C400] =	vst v63  }
0x1eb: {  	_ =	swait.ge [sflag:s26], $0x7000  }
0x1ec: {  	[sflag:s26] =	ssyncset.done $0x0  }
0x1ed: {  	s2 =	rddreg [dreg:$0x7];
	[sflag:s26] =	ssyncadd.s32 $0xFFFF9000  }
0x1ee: {  	[hbm4b:s2+s3] =	stream.linear.scatter [tilespmem:s0], [sflag:$0x5], $0x7000, $0x38;
	[tilespmem:$0x1C400] =	vst v63  }
0x1ef: {  	_ =	swait.ge [sflag:s5], $0x7000  }
0x1f0: {  	[sflag:s5] =	ssyncset.done $0x0  }
0x1f1: {  	[sflag:s5] =	ssyncadd.s32 $0xFFFF9000  }
0x1f2: {  	v3 =	vld [tilespmem:$0x300];
	_ =	sdelay $0x4  }
0x1f3: {  	v57 =	vshll.u32 v3, $0x1  }
0x1f4: {  	v3 =	vand.u32 $0x7, v3;
	v4 =	vand.u32 $0xFFFFFFF0, v57  }
0x1f5: {  	v3 =	vor.u32 v3, v4  }
0x1f6: {  	v4 =	vperm.xlane v3, v0;
	_ =	sdelay $0x1  }
0x1f7: {  	v3 =	vperm.xlane v3, v2;
	v4 =	vadd.s32 v1, v4;
	_ =	sdelay $0x1  }
0x1f8: {  	v3 =	vadd.s32 v1, v3;
	_ =	sdelay $0x2  }
0x1f9: {  	[tilespmem:s0], [sflag:$0x3] =	stream.indirect_vreg.gather [hbm4b:s1+s3], $0x80, v4, vm0, $0xb8;
	[tilespmem:$0x1C400] =	vst v63  }
0x1fa: {  	s29 =	simm.s32 $0xEC00  }
0x1fb: {  	[tilespmem:s29], [sflag:$0x3] =	stream.indirect_vreg.gather [hbm4b:s1+s3], $0x80, v3, vm0, $0xb8;
	[tilespmem:$0x1C400] =	vst v63  }
0x1fc: {  	v3 =	vld [tilespmem:$0x310];
	_ =	sdelay $0x4  }
0x1fd: {  	v58 =	vshll.u32 v3, $0x1  }
0x1fe: {  	v3 =	vand.u32 $0x7, v3;
	v4 =	vand.u32 $0xFFFFFFF0, v58  }
0x1ff: {  	v3 =	vor.u32 v3, v4  }
0x200: {  	v4 =	vperm.xlane v3, v0;
	_ =	sdelay $0x1  }
0x201: {  	v3 =	vperm.xlane v3, v2;
	v4 =	vadd.s32 v1, v4;
	_ =	sdelay $0x1  }
0x202: {  	v3 =	vadd.s32 v1, v3;
	_ =	sdelay $0x1  }
0x203: {  	s29 =	simm.s32 $0xF400  }
0x204: {  	[tilespmem:s29], [sflag:$0x3] =	stream.indirect_vreg.gather [hbm4b:s1+s3], $0x80, v4, vm0, $0xb8;
	[tilespmem:$0x1C400] =	vst v63  }
0x205: {  	s29 =	simm.s32 $0xFC00  }
0x206: {  	[tilespmem:s29], [sflag:$0x3] =	stream.indirect_vreg.gather [hbm4b:s1+s3], $0x80, v3, vm0, $0xb8;
	[tilespmem:$0x1C400] =	vst v63  }
0x207: {  	v3 =	vld [tilespmem:$0x320];
	_ =	sdelay $0x4  }
0x208: {  	v59 =	vshll.u32 v3, $0x1  }
0x209: {  	v3 =	vand.u32 $0x7, v3;
	v4 =	vand.u32 $0xFFFFFFF0, v59  }
0x20a: {  	v3 =	vor.u32 v3, v4  }
0x20b: {  	v4 =	vperm.xlane v3, v0;
	_ =	sdelay $0x1  }
0x20c: {  	v3 =	vperm.xlane v3, v2;
	v4 =	vadd.s32 v1, v4;
	_ =	sdelay $0x1  }
0x20d: {  	v3 =	vadd.s32 v1, v3;
	_ =	sdelay $0x1  }
0x20e: {  	s29 =	simm.s32 $0x10400  }
0x20f: {  	[tilespmem:s29], [sflag:$0x3] =	stream.indirect_vreg.gather [hbm4b:s1+s3], $0x80, v4, vm0, $0xb8;
	[tilespmem:$0x1C400] =	vst v63  }
0x210: {  	s29 =	simm.s32 $0x10C00  }
0x211: {  	[tilespmem:s29], [sflag:$0x3] =	stream.indirect_vreg.gather [hbm4b:s1+s3], $0x80, v3, vm0, $0xb8;
	[tilespmem:$0x1C400] =	vst v63  }
0x212: {  	v3 =	vld [tilespmem:$0x330];
	_ =	sdelay $0x4  }
0x213: {  	v60 =	vshll.u32 v3, $0x1  }
0x214: {  	v3 =	vand.u32 $0x7, v3;
	v4 =	vand.u32 $0xFFFFFFF0, v60  }
0x215: {  	v3 =	vor.u32 v3, v4  }
0x216: {  	v4 =	vperm.xlane v3, v0;
	_ =	sdelay $0x1  }
0x217: {  	v3 =	vperm.xlane v3, v2;
	v4 =	vadd.s32 v1, v4;
	_ =	sdelay $0x1  }
0x218: {  	v3 =	vadd.s32 v1, v3;
	_ =	sdelay $0x1  }
0x219: {  	s29 =	simm.s32 $0x11400  }
0x21a: {  	[tilespmem:s29], [sflag:$0x3] =	stream.indirect_vreg.gather [hbm4b:s1+s3], $0x80, v4, vm0, $0xb8;
	[tilespmem:$0x1C400] =	vst v63  }
0x21b: {  	s29 =	simm.s32 $0x11C00  }
0x21c: {  	[tilespmem:s29], [sflag:$0x3] =	stream.indirect_vreg.gather [hbm4b:s1+s3], $0x80, v3, vm0, $0xb8;
	[tilespmem:$0x1C400] =	vst v63  }
0x21d: {  	v3 =	vld [tilespmem:$0x340];
	_ =	sdelay $0x4  }
0x21e: {  	v61 =	vshll.u32 v3, $0x1  }
0x21f: {  	v3 =	vand.u32 $0x7, v3;
	v4 =	vand.u32 $0xFFFFFFF0, v61  }
0x220: {  	v3 =	vor.u32 v3, v4  }
0x221: {  	v4 =	vperm.xlane v3, v0;
	_ =	sdelay $0x1  }
0x222: {  	v3 =	vperm.xlane v3, v2;
	v4 =	vadd.s32 v1, v4;
	_ =	sdelay $0x1  }
0x223: {  	v3 =	vadd.s32 v1, v3;
	_ =	sdelay $0x1  }
0x224: {  	s29 =	simm.s32 $0x12400  }
0x225: {  	[tilespmem:s29], [sflag:$0x3] =	stream.indirect_vreg.gather [hbm4b:s1+s3], $0x80, v4, vm0, $0xb8;
	[tilespmem:$0x1C400] =	vst v63  }
0x226: {  	s29 =	simm.s32 $0x12C00  }
0x227: {  	[tilespmem:s29], [sflag:$0x3] =	stream.indirect_vreg.gather [hbm4b:s1+s3], $0x80, v3, vm0, $0xb8;
	[tilespmem:$0x1C400] =	vst v63  }
0x228: {  	v3 =	vld [tilespmem:$0x350];
	_ =	sdelay $0x4  }
0x229: {  	v62 =	vshll.u32 v3, $0x1  }
0x22a: {  	v3 =	vand.u32 $0x7, v3;
	v4 =	vand.u32 $0xFFFFFFF0, v62  }
0x22b: {  	v3 =	vor.u32 v3, v4  }
0x22c: {  	v4 =	vperm.xlane v3, v0;
	_ =	sdelay $0x1  }
0x22d: {  	v3 =	vperm.xlane v3, v2;
	v4 =	vadd.s32 v1, v4;
	_ =	sdelay $0x1  }
0x22e: {  	v3 =	vadd.s32 v1, v3;
	_ =	sdelay $0x1  }
0x22f: {  	s29 =	simm.s32 $0x13400  }
0x230: {  	[tilespmem:s29], [sflag:$0x3] =	stream.indirect_vreg.gather [hbm4b:s1+s3], $0x80, v4, vm0, $0xb8;
	[tilespmem:$0x1C400] =	vst v63  }
0x231: {  	s29 =	simm.s32 $0x13C00  }
0x232: {  	[tilespmem:s29], [sflag:$0x3] =	stream.indirect_vreg.gather [hbm4b:s1+s3], $0x80, v3, vm0, $0xb8;
	[tilespmem:$0x1C400] =	vst v63  }
0x233: {  	v3 =	vld [tilespmem:$0x360];
	_ =	sdelay $0x4  }
0x234: {  	v63 =	vshll.u32 v3, $0x1  }
0x235: {  	v3 =	vand.u32 $0x7, v3;
	v4 =	vand.u32 $0xFFFFFFF0, v63  }
0x236: {  	v3 =	vor.u32 v3, v4  }
0x237: {  	v4 =	vperm.xlane v3, v0;
	_ =	sdelay $0x1  }
0x238: {  	v3 =	vperm.xlane v3, v2;
	v4 =	vadd.s32 v1, v4;
	_ =	sdelay $0x1  }
0x239: {  	v3 =	vadd.s32 v1, v3;
	_ =	sdelay $0x1  }
0x23a: {  	s29 =	simm.s32 $0x14400  }
0x23b: {  	[tilespmem:s29], [sflag:$0x3] =	stream.indirect_vreg.gather [hbm4b:s1+s3], $0x80, v4, vm0, $0xb8;
	[tilespmem:$0x1C400] =	vst v63  }
0x23c: {  	s2 =	simm.s32 $0x4;
	s29 =	simm.s32 $0x14C00  }
0x23d: {  	[tilespmem:s29], [sflag:$0x3] =	stream.indirect_vreg.gather [hbm4b:s1+s3], $0x80, v3, vm0, $0xb8;
	[tilespmem:$0x1C400] =	vst v63  }
0x23e: {  	_ =	swait.ge [sflag:s2], $0x7000  }
0x23f: {  	[sflag:s2] =	ssyncset.done $0x0  }
0x240: {  	s29 =	rddreg [dreg:$0x8];
	[sflag:s2] =	ssyncadd.s32 $0xFFFF9000;
	s2 =	simm.s32 $0x15400  }
0x241: {  	[hbm4b:s29+s3] =	stream.linear.scatter [tilespmem:s2], [sflag:$0x5], $0x7000, $0x38;
	[tilespmem:$0x1C400] =	vst v63  }
0x242: {  	_ =	swait.ge [sflag:s5], $0x7000  }
0x243: {  	[sflag:s5] =	ssyncset.done $0x0  }
0x244: {  	[sflag:s5] =	ssyncadd.s32 $0xFFFF9000  }
0x245: {  	_ =	swait.ge [sflag:s24], $0x7000  }
0x246: {  	[sflag:s24] =	ssyncset.done $0x0  }
0x247: {  	s30 =	simm.s32 $0x400;
	s2 =	rddreg [dreg:$0x9];
	[sflag:s24] =	ssyncadd.s32 $0xFFFF9000  }
0x248: {  	[hbm4b:s2+s3] =	stream.linear.scatter [tilespmem:s30], [sflag:$0x5], $0x7000, $0x38;
	[tilespmem:$0x1C400] =	vst v63  }
0x249: {  	_ =	swait.ge [sflag:s5], $0x7000  }
0x24a: {  	[sflag:s5] =	ssyncset.done $0x0  }
0x24b: {  	[sflag:s5] =	ssyncadd.s32 $0xFFFF9000  }
0x24c: {  	_ =	swait.ge [sflag:s25], $0x7000  }
0x24d: {  	[sflag:s25] =	ssyncset.done $0x0  }
0x24e: {  	s2 =	rddreg [dreg:$0xa];
	[sflag:s25] =	ssyncadd.s32 $0xFFFF9000  }
0x24f: {  	[hbm4b:s2+s3] =	stream.linear.scatter [tilespmem:s8], [sflag:$0x5], $0x7000, $0x38;
	[tilespmem:$0x1C400] =	vst v63  }
0x250: {  	_ =	swait.ge [sflag:s5], $0x7000  }
0x251: {  	[sflag:s5] =	ssyncset.done $0x0  }
0x252: {  	[sflag:s5] =	ssyncadd.s32 $0xFFFF9000  }
0x253: {  	_ =	swait.ge [sflag:s26], $0x7000  }
0x254: {  	p0 =	sne.s32 s4, $0x1;
	[sflag:s26] =	ssyncset.done $0x0  }
.Ltmp0:
0x255: {  	s30 =	rddreg [dreg:$0xb];
	[sflag:s26] =	ssyncadd.s32 $0xFFFF9000;
	(pc) =	sbr.rel @p0 .LBB2_1-.Ltmp0, $4  }
0x256: {  	[hbm4b:s30+s3] =	stream.linear.scatter [tilespmem:s0], [sflag:$0x5], $0x7000, $0x38;
	[tilespmem:$0x1C400] =	vst v63  }
0x257: {  	_ =	swait.ge [sflag:s5], $0x7000  }
0x258: {  	[sflag:s5] =	ssyncset.done $0x0  }
0x259: {  	s4 =	sadd.s32 $0xFFFFFFFF, s4;
	[sflag:s5] =	ssyncadd.s32 $0xFFFF9000  }
0x25a: {  	_ =	sfence.sel $0x180000  }
0x25b: {  	[bflag:$0x0] =	sbarrier.arrive $0xFFFF  }
0x25c: {  	_ =	strace $0x9000004D  }
0x25d: {  	s0 =	stileid.u32;
	[bflag:$0x2] =	sbarrier.arrive $0xFFFF  }
0x25e: {  	p0 =	sne.s32 s0, $0x0;
	s0 =	rddreg [dreg:$0x3]  }
0x25f: {  	s0 =	sadd.s32 @!p0 $0x100000, s0  }
0x260: {  	[sflag:s0] =	ssyncadd.tile.s32 @!p0 $0x1;
	_ =	shalt  }
.Lfunc_end2:
_tile_overlayer_lowered:
.L_overlay_start_2:
0x261: {  	(tag) =	ssettag $0x2  }
0x262: {  	s0 =	rddreg [dreg:$0x0];
	s2 =	stileid.u32  }
0x263: {  	s1 =	rddreg [dreg:$0x1];
	p0 =	sne.s32 s2, $0x0  }
0x264: {  	s3 =	rddreg [dreg:$0x2];
	[bflag:$0x3] =	sbarrier.arrive $0xFFFF;
	s2 =	simm.s32 @!p0 $0x1C05  }
0x265: {  	[timem:s3], [sflag:s2] =	dma.local @!p0 [hbm:s0], s1  }
0x266: {  	s0 =	simm.s32 @!p0 $0x5  }
0x267: {  	_ =	swait.ge @!p0 [sflag:s0], s1  }
0x268: {  	s1 =	ssub.s32 @!p0 $0x0, s1;
	[sflag:s0] =	ssyncset.done @!p0 $0x0  }
0x269: {  	[sflag:s0] =	ssyncadd.s32 @!p0 s1  }
0x26a: {  	[bflag:$0x3] =	sbarrier.arrive $0xFFFF  }
0x26b: {  	_ =	shalt  }

// kernel: sparse-core-data-format-call.1.cloned.1.call-start
scs
called_computation.1_lowered:
.L_overlay_start_0:
0x0: {  	s1 =	sld [smem:$0x3FD9]  }
0x1: {  	s2 =	sld [smem:$0x3FFE];
	_ =	sdelay $0x1  }
0x2: {  	s3 =	srdreg.scid  }
0x3: {  	s0 =	sand.u32 $0x1, s3  }
0x4: {  	s17 =	sshll.u32 s0, $0xA;
	s1 =	sadd.s32 s2, s1  }
0x5: {  	s1 =	sadd.s32 s1, s17  }
0x6: {  	[smem:$0x3FBE] =	sst s1  }
0x7: {  	_ = 	snop  }
0x8: {  	(tm) =	ssettm $0x1  }
0x9: {  	s18 =	sld [smem:$0x3FFB];
	_ =	sdelay $0x3  }
0xa: {  	_ =	strace s18  }
0xb: {  	s1 =	sld [smem:$0x3FFC];
	_ =	sdelay $0x3  }
0xc: {  	_ =	strace s1  }
0xd: {  	s1 =	sld [smem:$0x3FFD];
	_ =	sdelay $0x3  }
0xe: {  	_ =	strace s1  }
0xf: {  	_ =	strace $0x8FFFFFFF  }
0x10: {  	s19 =	sld [smem:$0x3FDB];
	_ =	sdelay $0x1  }
0x11: {  	s20 =	simm.s32 $_scs_section_size  }
0x12: {  	s4 =	simm.s32 $_size__tile_overlayer_lowered;
	s5 =	simm.s32 $_tile_overlayer_lowered  }
0x13: {  	s23 =	simm.s32 $0x1BFF;
	s22 =	sshll.u32 s5, $0x1;
	s1 =	sadd.s32 s20, s19  }
0x14: {  	s6 =	simm.s32 $0x0;
	s21 =	sshll.u32 s4, $0x1;
	s4 =	sadd.s32 s22, s1  }
0x15: {  	[timem:s6], [sflag:s23] =	dma.local [hbm:s4], s21  }
0x16: {  	_ =	swait.ge [sflag:s23], s21  }
0x17: {  	s2 =	ssub.s32 $0x0, s21;
	[sflag:s23] =	ssyncset.done $0x0  }
0x18: {  	[sflag:s23] =	ssyncadd.s32 s2;
	_ =	sdelay $0x1  }
0x19: {  	s24 =	simm.s32 $0x1B8B  }
0x1a: {  	_ =	swait.ge [sflag:s24], $0x1  }
0x1b: {  	[sflag:s24] =	ssyncset.done $0x0  }
0x1c: {  	s26 =	simm.s32 $0x1B8E;
	s25 =	sld [smem:$0x3FFE];
	[sflag:s24] =	ssyncadd.s32 $0xFFFFFFFF  }
0x1d: {  	s27 =	simm.s32 $execute0_lowered;
	[smem:$0x3FD2] =	sst s26  }
0x1e: {  	s4 =	sshll.u32 s27, $0x1;
	_ =	strace $0x80000046;
	[dreg:$0x1] =	wrdreg $0xFFFFFFFF  }
0x1f: {  	s28 =	simm.s32 $_size_execute0_lowered;
	s1 =	sadd.s32 s1, s4;
	[dreg:$0x0] =	wrdreg $0x0  }
0x20: {  	s4 =	sshll.u32 s28, $0x1;
	[dreg:$0x2] =	wrdreg s1  }
0x21: {  	[dreg:$0x3] =	wrdreg s4  }
0x22: {  	[dreg:$0x4] =	wrdreg $0xC0  }
0x23: {  	_ =	task [dreg:s6], $0x5FFFF  }
0x24: {  	[dreg:$0x1] =	wrdreg $0xFFFFFFFF  }
0x25: {  	[dreg:$0x0] =	wrdreg $0x60  }
0x26: {  	[dreg:$0x2] =	wrdreg s25  }
0x27: {  	[dreg:$0x3] =	wrdreg $0x9  }
0x28: {  	_ =	task.clear_ibuf [dreg:s6], $0x4FFFF;
	_ =	strace $0x90000046  }
0x29: {  	s29 =	simm.s32 $0x9;
	_ =	strace $0x80000048  }
0x2a: {  	_ =	swait.ge [sflag:s29], $0x1  }
0x2b: {  	[sflag:s29] =	ssyncadd.s32 $0xFFFFFFFF  }
0x2c: {  	_ =	strace $0x90000048  }
0x2d: {  	_ =	sfence  }
0x2e: {  	s30 =	sld [smem:$0x0];
	_ =	sdelay $0x2  }
0x2f: {  	s31 =	sshll.u32 s3, $0xD;
	s3 =	sshrl.u32 s3, $0x2  }
0x30: {  	s2 =	sand.u32 $0x4000, s31;
	s1 =	sadd.s32 s3, s30  }
0x31: {  	s0 =	sor.u32 s2, s0;
	s1 =	sshll.u32 s1, $0x11  }
0x32: {  	s0 =	sor.u32 s1, s0  }
0x33: {  	s0 =	sadd.s32 $0x8F2B, s0  }
0x34: {  	[sflag:s0] =	ssyncadd.remote.s32 $0x1  }
0x35: {  	_ =	sfence.sel $0xFFFF  }
0x36: {  	[dreg:$0x0] =	wrdreg $0xFFFFFFFF;
	(pc) =	sbr.abs _section_cstart, $3  }
0x37: {  	[dreg:$0x1] =	wrdreg $0xFFFFFFFF  }
0x38: {  	_ =	task.clear_ibuf [dreg:s6], $0x2FFFF;
	_ =	strace $0x9FFFFFFF  }
0x39: {  	(tm) =	ssettm $0x7FFFFFFF  }
tec
execute0_lowered:
.L_overlay_start_1:
0x0: {  	(tag) =	ssettag $0x1  }
0x1: {  	s0 =	srdreg.scid  }
0x2: {  	s6 =	rddreg [dreg:$0x0];
	s3 =	simm.s32 $0x1;
	s7 =	simm.s32 $0x2  }
0x3: {  	s8 =	simm.s32 $0x0;
	s9 =	simm.s32 $0x0;
	s1 =	sshll.u32 s0, $0x4  }
0x4: {  	s14 =	simm.s32 $0x0;
	s0 =	stileid.u32;
	s1 =	sand.u32 $0x10, s1  }
0x5: {  	s15 =	simm.s32 $0x0;
	s16 =	simm.s32 $0x0;
	s2 =	sor.u32 s0, s1  }
.Ltmp0:
0x6: {  	s10 =	simm.s32 $0x0;
	s4 =	ssub.s32 $0x8F, s2;
	(pc) =	sbr.rel .LBB1_1-.Ltmp0, $4  }
0x7: {  	s12 =	simm.s32 $0x0;
	s13 =	simm.s32 $0x0;
	s4 =	sshrl.u32 s4, $0x5  }
0x8: {  	s1 =	rddreg [dreg:$0x1];
	_ =	strace $0x80000047;
	s4 =	smul.u32 $0x7, s4  }
0x9: {  	s5 =	sadd.s32 $0x18D600, s6;
	s6 =	sadd.s32 $0x5600, s6;
	[sflag:s3] =	ssyncpa.u1 $0x0  }
0xa: {  	s11 =	smov.u32 s2;
	[sflag:s7] =	ssyncpa.u1 $0x0;
	s7 =	sadd.s32 $0x1, s4  }
.LBB1_7:
0xb: {  	s17 =	sadd.s32 $0x10, s10  }
0xc: {  	s14 =	sadd.s32 $0x20, s11;
	s18 =	smov.u32 s11;
	p1 =	sgt.s32 s17, $0x6F  }
0xd: {  	s18 =	smov.u32 @p1 s14  }
0xe: {  	s20 =	smov.u32 s12;
	s14 =	sadd.s32 $0x8, s12;
	p2 =	sgt.s32 s18, $0x6F  }
0xf: {  	s20 =	smov.u32 @p2 s14  }
0x10: {  	s17 =	simm.s32 @p1 $0x0;
	p1 =	sgt.s32 s20, $0x7  }
0x11: {  	p0 =	slt.u32 s13, $0x2;
	s20 =	simm.s32 @p1 $0x0;
	p1 =	sne.s32 s13, s7  }
.Ltmp1:
0x12: {  	s19 =	simm.s32 @!p0 $0x2;
	(pc) =	sbr.rel @!p1 .LBB1_8-.Ltmp1, $4  }
0x13: {  	s15 =	smov.u32 s11;
	s16 =	smov.u32 s12;
	_ =	swait.ge @!p0 [sflag:s19], $0x4000  }
0x14: {  	s9 =	sadd.s32 $0x4000, s9;
	[sflag:s19] =	ssyncset.done @!p0 $0x0;
	s18 =	smov.u32 @p2 s2  }
0x15: {  	s14 =	smov.u32 s10;
	[sflag:s19] =	ssyncadd.s32 @!p0 $0xFFFFC000;
	s10 =	smov.u32 s17  }
0x16: {  	s11 =	smov.u32 s18;
	s13 =	sadd.s32 $0x1, s13;
	s12 =	smov.u32 s20  }
.LBB1_1:
0x17: {  	p0 =	sge.u32 s13, s4  }
0x18: {  	s17 =	sand.u32 @!p0 $0x1FFFFFF, s10;
	s19 =	smul.u32 @!p0 $0x31000, s12  }
0x19: {  	s18 =	smulhi.u32 @!p0 $0x2492493, s17  }
0x1a: {  	s21 =	smul.u32 @!p0 $0x700, s11  }
0x1b: {  	s18 =	smul.u32 @!p0 $0x70, s18  }
0x1c: {  	s31 =	sadd.s32 $0xFFFFFFFF, s13;
	s19 =	sadd.s32 @!p0 s5, s19  }
0x1d: {  	s20 =	sxor.u32 @!p0 $0xFFFFFFFF, s13;
	s19 =	sadd.s32 @!p0 s21, s19;
	s17 =	ssub.s32 @!p0 s17, s18  }
0x1e: {  	s18 =	sshll.u32 @!p0 s20, $0xE;
	s20 =	simm.s32 @!p0 $0x188000;
	s17 =	sshll.u32 @!p0 s17, $0x4  }
0x1f: {  	s18 =	sand.u32 @!p0 $0x4000, s18;
	s17 =	sadd.s32 @!p0 s17, s19;
	s19 =	simm.s32 @!p0 $0x800  }
0x20: {  	[tilespmem:s18], [sflag:$0x1] =	stream.strided.gather @!p0 [hbm4b:s17+s19], $0x4000, s20, s19, $0x38;
	[tilespmem:$0x10000] =	vst v63  }
0x21: {  	p0 =	sge.u32 s31, s4  }
.Ltmp2:
0x22: {  	_ = 	snop;
	(pc) =	sbr.rel @p0 .LBB1_7-.Ltmp2, $1  }
0x23: {  	_ =	sdelay $0x3  }
0x24: {  	s17 =	sand.u32 $0x4000, s9  }
0x25: {  	_ =	swait.ge [sflag:s3], $0x4000;
	s20 =	sshll.u32 s13, $0xE;
	s18 =	sor.u32 $0x8040, s17  }
0x26: {  	s19 =	sor.u32 $0x40, s17;
	[sflag:s3] =	ssyncset.done $0x0;
	s31 =	sand.u32 $0x4000, s20  }
0x27: {  	s20 =	simm.s32 $0x0;
	[sflag:s3] =	ssyncadd.s32 $0xFFFFC000;
	s17 =	sor.u32 $0x8000, s31  }
.LBB1_3:
0x28: {  	v0 =	vmov s19;
	_ =	sdelay $0x3  }
0x29: {  	s22 =	simm.s32 $0x0  }
0x2a: {  	v6 =	vld.idx.msk [tilespmem:v0+s22+$0x30 ss:$0x1], $0xffff  }
0x2b: {  	v7 =	vld.idx.msk [tilespmem:v0+s22+$0xFFFFFFC0 ss:$0x1], $0xffff  }
0x2c: {  	v5 =	vld.idx.msk [tilespmem:v0+s22+$0xFFFFFFD0 ss:$0x1], $0xffff  }
0x2d: {  	v4 =	vld.idx.msk [tilespmem:v0+s22+$0xFFFFFFE0 ss:$0x1], $0xffff  }
0x2e: {  	v3 =	vld.idx.msk [tilespmem:v0+s22+$0xFFFFFFF0 ss:$0x1], $0xffff  }
0x2f: {  	v1 =	vld.idx.msk [tilespmem:v0+s22+$0x0 ss:$0x1], $0xffff  }
0x30: {  	v2 =	vld.idx.msk [tilespmem:v0+s22+$0x10 ss:$0x1], $0xffff;
	[tilespmem:s18+$0x30] =	vst v6  }
0x31: {  	s21 =	simm.s32 $0x80;
	s23 =	simm.s32 $0x400;
	[tilespmem:s18+$0xFFFFFFC0] =	vst v7;
	v6 =	vld.idx.msk [tilespmem:v0+s22+$0x20 ss:$0x1], $0xffff;
	s22 =	smov.u32 s18  }
.LBB1_4:
0x32: {  	p0 =	sne.s32 s23, $0x1E00;
	v7 =	vld.idx.msk [tilespmem:v0+s21+$0x30 ss:$0x1], $0xffff;
	[tilespmem:s22+$0xFFFFFFD0] =	vst v5  }
0x33: {  	v8 =	vld.idx.msk [tilespmem:v0+s21+$0xFFFFFFC0 ss:$0x1], $0xffff;
	[tilespmem:s22+$0xFFFFFFE0] =	vst v4  }
0x34: {  	v5 =	vld.idx.msk [tilespmem:v0+s21+$0xFFFFFFD0 ss:$0x1], $0xffff;
	[tilespmem:s22+$0xFFFFFFF0] =	vst v3  }
.Ltmp3:
0x35: {  	v4 =	vld.idx.msk [tilespmem:v0+s21+$0xFFFFFFE0 ss:$0x1], $0xffff;
	[tilespmem:s22+$0x0] =	vst v1;
	(pc) =	sbr.rel @p0 .LBB1_4-.Ltmp3, $4  }
0x36: {  	v3 =	vld.idx.msk [tilespmem:v0+s21+$0xFFFFFFF0 ss:$0x1], $0xffff;
	[tilespmem:s22+$0x10] =	vst v2  }
0x37: {  	v1 =	vld.idx.msk [tilespmem:v0+s21+$0x0 ss:$0x1], $0xffff;
	[tilespmem:s22+$0x20] =	vst v6;
	s22 =	sadd.s32 $0x400, s22  }
0x38: {  	v2 =	vld.idx.msk [tilespmem:v0+s21+$0x10 ss:$0x1], $0xffff;
	[tilespmem:s22+$0x30] =	vst v7  }
0x39: {  	[tilespmem:s22+$0xFFFFFFC0] =	vst v8;
	v6 =	vld.idx.msk [tilespmem:v0+s21+$0x20 ss:$0x1], $0xffff;
	s21 =	sshra.s32 s23, $0x2;
	s23 =	sadd.s32 $0x200, s23  }
0x3a: {  	_ =	sdelay $0x2  }
0x3b: {  	[tilespmem:s22+$0xFFFFFFD0] =	vst v5  }
0x3c: {  	v56 =	vld.idx.msk [tilespmem:v0+s21+$0x30 ss:$0x1], $0xffff;
	[tilespmem:s22+$0xFFFFFFE0] =	vst v4  }
0x3d: {  	v57 =	vld.idx.msk [tilespmem:v0+s21+$0xFFFFFFC0 ss:$0x1], $0xffff;
	[tilespmem:s22+$0xFFFFFFF0] =	vst v3  }
0x3e: {  	v58 =	vld.idx.msk [tilespmem:v0+s21+$0xFFFFFFD0 ss:$0x1], $0xffff;
	[tilespmem:s22+$0x0] =	vst v1  }
0x3f: {  	v59 =	vld.idx.msk [tilespmem:v0+s21+$0xFFFFFFE0 ss:$0x1], $0xffff;
	[tilespmem:s22+$0x10] =	vst v2  }
0x40: {  	v60 =	vld.idx.msk [tilespmem:v0+s21+$0xFFFFFFF0 ss:$0x1], $0xffff;
	s31 =	sadd.s32 $0x400, s22;
	[tilespmem:s22+$0x20] =	vst v6  }
0x41: {  	v61 =	vld.idx.msk [tilespmem:v0+s21+$0x0 ss:$0x1], $0xffff;
	[tilespmem:s31+$0x30] =	vst v56  }
0x42: {  	v62 =	vld.idx.msk [tilespmem:v0+s21+$0x10 ss:$0x1], $0xffff;
	s20 =	sadd.s32 $0x1, s20;
	[tilespmem:s31+$0xFFFFFFC0] =	vst v57  }
0x43: {  	v63 =	vld.idx.msk [tilespmem:v0+s21+$0x20 ss:$0x1], $0xffff;
	p0 =	sne.s32 s20, $0x8;
	[tilespmem:s31+$0xFFFFFFD0] =	vst v58  }
.Ltmp4:
0x44: {  	[tilespmem:s31+$0xFFFFFFE0] =	vst v59;
	(pc) =	sbr.rel @p0 .LBB1_3-.Ltmp4, $4  }
0x45: {  	[tilespmem:s31+$0xFFFFFFF0] =	vst v60  }
0x46: {  	[tilespmem:s31+$0x0] =	vst v61  }
0x47: {  	[tilespmem:s31+$0x10] =	vst v62  }
0x48: {  	s18 =	sadd.s32 $0x80, s18;
	s19 =	sadd.s32 $0x800, s19;
	[tilespmem:s31+$0x20] =	vst v63  }
0x49: {  	s15 =	smul.u32 $0x3800, s15  }
.Ltmp5:
0x4a: {  	s16 =	sshll.u32 s16, $0x4;
	(pc) =	sbr.rel .LBB1_7-.Ltmp5, $4  }
0x4b: {  	s16 =	sand.u32 $0x70, s16;
	s15 =	sadd.s32 s6, s15  }
0x4c: {  	s14 =	sshll.u32 s14, $0x7;
	s15 =	sadd.s32 s16, s15  }
0x4d: {  	s14 =	sadd.s32 s14, s15  }
0x4e: {  	[hbm4b:s14+s8] =	stream.linear.scatter [tilespmem:s17], [sflag:$0x2], $0x4000, $0x38;
	[tilespmem:$0x10000] =	vst v63  }
.LBB1_8:
0x4f: {  	_ =	sfence.sel $0x180000  }
0x50: {  	s2 =	simm.s32 $0x1;
	[bflag:$0x0] =	sbarrier.arrive $0xFFFF  }
0x51: {  	s31 =	simm.s32 $0x2;
	[sflag:s2] =	ssyncpa.u1 $0x1  }
0x52: {  	[sflag:s31] =	ssyncpa.u1 $0x1  }
0x53: {  	p0 =	sne.s32 s0, $0x0;
	_ =	strace $0x90000047  }
0x54: {  	s0 =	sadd.s32 @!p0 $0x100000, s1;
	[bflag:$0x2] =	sbarrier.arrive $0xFFFF  }
0x55: {  	[sflag:s0] =	ssyncadd.tile.s32 @!p0 $0x1;
	_ =	shalt  }
.Lfunc_end1:
_tile_overlayer_lowered:
.L_overlay_start_2:
0x56: {  	(tag) =	ssettag $0x2  }
0x57: {  	s0 =	rddreg [dreg:$0x0];
	s2 =	stileid.u32  }
0x58: {  	s1 =	rddreg [dreg:$0x1];
	p0 =	sne.s32 s2, $0x0  }
0x59: {  	s3 =	rddreg [dreg:$0x2];
	[bflag:$0x3] =	sbarrier.arrive $0xFFFF;
	s2 =	simm.s32 @!p0 $0x1C01  }
0x5a: {  	[timem:s3], [sflag:s2] =	dma.local @!p0 [hbm:s0], s1  }
0x5b: {  	s0 =	simm.s32 @!p0 $0x1  }
0x5c: {  	_ =	swait.ge @!p0 [sflag:s0], s1  }
0x5d: {  	s1 =	ssub.s32 @!p0 $0x0, s1;
	[sflag:s0] =	ssyncset.done @!p0 $0x0  }
0x5e: {  	[sflag:s0] =	ssyncadd.s32 @!p0 s1  }
0x5f: {  	[bflag:$0x3] =	sbarrier.arrive $0xFFFF  }
0x60: {  	_ =	shalt  }

// kernel: sparse-core-data-format-call.cloned.1.call-start
scs
called_computation_lowered:
.L_overlay_start_0:
0x0: {  	s1 =	sld [smem:$0x3FD9]  }
0x1: {  	s2 =	sld [smem:$0x3FFE];
	_ =	sdelay $0x1  }
0x2: {  	s3 =	srdreg.scid  }
0x3: {  	s0 =	sand.u32 $0x1, s3  }
0x4: {  	s17 =	sshll.u32 s0, $0xA;
	s1 =	sadd.s32 s2, s1  }
0x5: {  	s1 =	sadd.s32 s1, s17  }
0x6: {  	[smem:$0x3FBE] =	sst s1  }
0x7: {  	_ = 	snop  }
0x8: {  	(tm) =	ssettm $0x1  }
0x9: {  	s18 =	sld [smem:$0x3FFB];
	_ =	sdelay $0x3  }
0xa: {  	_ =	strace s18  }
0xb: {  	s1 =	sld [smem:$0x3FFC];
	_ =	sdelay $0x3  }
0xc: {  	_ =	strace s1  }
0xd: {  	s1 =	sld [smem:$0x3FFD];
	_ =	sdelay $0x3  }
0xe: {  	_ =	strace s1  }
0xf: {  	_ =	strace $0x8FFFFFFF  }
0x10: {  	s19 =	sld [smem:$0x3FDB];
	_ =	sdelay $0x1  }
0x11: {  	s20 =	simm.s32 $_scs_section_size  }
0x12: {  	s4 =	simm.s32 $_size__tile_overlayer_lowered;
	s5 =	simm.s32 $_tile_overlayer_lowered  }
0x13: {  	s23 =	simm.s32 $0x1BFF;
	s22 =	sshll.u32 s5, $0x1;
	s1 =	sadd.s32 s20, s19  }
0x14: {  	s6 =	simm.s32 $0x0;
	s21 =	sshll.u32 s4, $0x1;
	s4 =	sadd.s32 s22, s1  }
0x15: {  	[timem:s6], [sflag:s23] =	dma.local [hbm:s4], s21  }
0x16: {  	_ =	swait.ge [sflag:s23], s21  }
0x17: {  	s2 =	ssub.s32 $0x0, s21;
	[sflag:s23] =	ssyncset.done $0x0  }
0x18: {  	[sflag:s23] =	ssyncadd.s32 s2;
	_ =	sdelay $0x1  }
0x19: {  	s24 =	simm.s32 $0x1B8B  }
0x1a: {  	_ =	swait.ge [sflag:s24], $0x1  }
0x1b: {  	[sflag:s24] =	ssyncset.done $0x0  }
0x1c: {  	s26 =	simm.s32 $0x1B8E;
	s25 =	sld [smem:$0x3FFE];
	[sflag:s24] =	ssyncadd.s32 $0xFFFFFFFF  }
0x1d: {  	s27 =	simm.s32 $execute0_lowered;
	[smem:$0x3FD2] =	sst s26  }
0x1e: {  	s4 =	sshll.u32 s27, $0x1;
	_ =	strace $0x80000049;
	[dreg:$0x1] =	wrdreg $0xFFFFFFFF  }
0x1f: {  	s28 =	simm.s32 $_size_execute0_lowered;
	s1 =	sadd.s32 s1, s4;
	[dreg:$0x0] =	wrdreg $0x0  }
0x20: {  	s4 =	sshll.u32 s28, $0x1;
	[dreg:$0x2] =	wrdreg s1  }
0x21: {  	[dreg:$0x3] =	wrdreg s4  }
0x22: {  	[dreg:$0x4] =	wrdreg $0xC0  }
0x23: {  	_ =	task [dreg:s6], $0x5FFFF  }
0x24: {  	[dreg:$0x1] =	wrdreg $0xFFFFFFFF  }
0x25: {  	[dreg:$0x0] =	wrdreg $0x60  }
0x26: {  	[dreg:$0x2] =	wrdreg s25  }
0x27: {  	[dreg:$0x3] =	wrdreg $0x9  }
0x28: {  	_ =	task.clear_ibuf [dreg:s6], $0x4FFFF;
	_ =	strace $0x90000049  }
0x29: {  	s29 =	simm.s32 $0x9;
	_ =	strace $0x8000004B  }
0x2a: {  	_ =	swait.ge [sflag:s29], $0x1  }
0x2b: {  	[sflag:s29] =	ssyncadd.s32 $0xFFFFFFFF  }
0x2c: {  	_ =	strace $0x9000004B  }
0x2d: {  	_ =	sfence  }
0x2e: {  	s30 =	sld [smem:$0x0];
	_ =	sdelay $0x2  }
0x2f: {  	s31 =	sshll.u32 s3, $0xD;
	s3 =	sshrl.u32 s3, $0x2  }
0x30: {  	s2 =	sand.u32 $0x4000, s31;
	s1 =	sadd.s32 s3, s30  }
0x31: {  	s0 =	sor.u32 s2, s0;
	s1 =	sshll.u32 s1, $0x11  }
0x32: {  	s0 =	sor.u32 s1, s0  }
0x33: {  	s0 =	sadd.s32 $0x8F2B, s0  }
0x34: {  	[sflag:s0] =	ssyncadd.remote.s32 $0x1  }
0x35: {  	_ =	sfence.sel $0xFFFF  }
0x36: {  	[dreg:$0x0] =	wrdreg $0xFFFFFFFF;
	(pc) =	sbr.abs _section_cstart, $3  }
0x37: {  	[dreg:$0x1] =	wrdreg $0xFFFFFFFF  }
0x38: {  	_ =	task.clear_ibuf [dreg:s6], $0x2FFFF;
	_ =	strace $0x9FFFFFFF  }
0x39: {  	(tm) =	ssettm $0x7FFFFFFF  }
tec
execute0_lowered:
.L_overlay_start_1:
0x0: {  	(tag) =	ssettag $0x1  }
0x1: {  	s1 =	stileid.u32;
	s0 =	rddreg [dreg:$0x0];
	_ =	strace $0x8000004A  }
0x2: {  	s4 =	srdreg.scid;
	s6 =	simm.s32 $0x1;
	s31 =	simm.s32 $0x2  }
0x3: {  	s19 =	simm.s32 $0x0;
	s18 =	simm.s32 $0x0;
	s20 =	simm.s32 $0x0  }
0x4: {  	s11 =	simm.s32 $0x0;
	s12 =	simm.s32 $0x0;
	s2 =	sshll.u32 s1, $0x2  }
0x5: {  	s13 =	simm.s32 $0x0;
	s15 =	simm.s32 $0x0;
	s1 =	ssub.s32 $0x39, s2  }
0x6: {  	s17 =	simm.s32 $0x0;
	s3 =	sadd.s32 $0x18D600, s0;
	p0 =	sgt.s32 s1, $0x0  }
.Ltmp0:
0x7: {  	s5 =	sand.u32 $0x1, s4;
	s1 =	simm.s32 @!p0 $0x0;
	(pc) =	sbr.rel .LBB1_1-.Ltmp0, $4  }
0x8: {  	[sflag:s6] =	ssyncpa.u1 $0x0;
	s0 =	sadd.s32 $0x323800, s0;
	s1 =	sand.u32 $0x3D, s1  }
0x9: {  	s6 =	sxor.u32 $0x1D, s5;
	[dreg:$0x2] =	wrdreg s0;
	p0 =	seq.s32 s1, $0x0  }
0xa: {  	[sflag:s31] =	ssyncpa.u1 $0x0;
	s14 =	smov.u32 s5;
	s6 =	simm.s32 @p0 $0x0  }
0xb: {  	s16 =	smov.u32 s2;
	p0 =	por $0x0, $0x0;
	s8 =	sadd.s32 $0x1, s6  }
.LBB1_13:
0xc: {  	s0 =	smul.u32 $0x7200, s13  }
0xd: {  	s1 =	sshll.u32 s17, $0xE;
	s7 =	rddreg [dreg:$0x2]  }
0xe: {  	s4 =	sshll.u32 s12, $0x5;
	s29 =	sshll.u32 s11, $0x9;
	s0 =	sadd.s32 s7, s0  }
0xf: {  	s30 =	simm.s32 $0x1000;
	s1 =	sand.u32 $0x4000, s1;
	s0 =	sadd.s32 s4, s0  }
0x10: {  	s31 =	simm.s32 $0x39000;
	s1 =	sor.u32 $0x8000, s1;
	s0 =	sadd.s32 s29, s0  }
0x11: {  	[hbm4b:s0+s30] =	stream.strided.scatter [tilespmem:s1], [sflag:$0x2], s21, s31, s30, $0x38;
	[tilespmem:$0x10000] =	vst v63  }
.LBB1_14:
0x12: {  	p1 =	slt.u32 s17, $0x2  }
0x13: {  	p2 =	sgt.s32 @!p1 s20, $0x35  }
0x14: {  	s0 =	smov.u32 s20;
	s4 =	smov.u32 s19;
	p2 =	por !p2, p1  }
0x15: {  	s1 =	sshra.s32 @!p1 s20, $0x1F;
	s0 =	simm.s32 @p2 $0x35;
	p2 =	sgt.s32 @!p1 s19, $0x38  }
0x16: {  	s7 =	sshra.s32 @!p1 s19, $0x1F;
	s1 =	sand.u32 @!p1 s1, s20;
	p2 =	por !p2, p1  }
0x17: {  	s0 =	ssub.s32 @!p1 s0, s1;
	s1 =	sand.u32 @!p1 s7, s19;
	s4 =	simm.s32 @p2 $0x38  }
0x18: {  	s0 =	sadd.s32 @!p1 $0xFFFFFFCB, s0;
	s1 =	ssub.s32 @!p1 s4, s1;
	s4 =	ssub.s32 @!p1 $0x0, s18  }
0x19: {  	p2 =	sgt.s32 @!p1 s0, $0x3;
	s0 =	sshll.u32 @!p1 s0, $0xB;
	s4 =	smin.u32 @!p1 s18, s4  }
0x1a: {  	s7 =	sadd.s32 @!p1 $0xFFFFFFC8, s1;
	s0 =	ssub.s32 @!p1 $0x2000, s0;
	p3 =	sgt.s32 @!p1 s4, $0x1  }
0x1b: {  	p2 =	por !p2, p1;
	s4 =	ssub.s32 @!p1 $0x2, s4;
	p3 =	por !p3, p1  }
0x1c: {  	s0 =	simm.s32 @!p2 $0x0;
	s4 =	simm.s32 @!p3 $0x0;
	p3 =	sgt.s32 @!p1 s7, $0x0  }
0x1d: {  	s1 =	ssub.s32 @!p1 $0x39, s1;
	p2 =	por !p3, p1;
	s0 =	smul.u32 @!p1 s4, s0  }
0x1e: {  	s1 =	simm.s32 @!p2 $0x0  }
0x1f: {  	s0 =	smul.u32 @!p1 s1, s0;
	s1 =	sadd.s32 $0x2, s14  }
0x20: {  	s7 =	smov.u32 s15;
	s4 =	sadd.s32 $0x2, s15;
	p2 =	sgt.s32 s1, $0x38  }
0x21: {  	s7 =	smov.u32 @p2 s4  }
0x22: {  	s10 =	smov.u32 s16;
	s4 =	sadd.s32 $0x40, s16;
	p3 =	sgt.s32 s7, $0x1  }
0x23: {  	p0 =	por !p0, !p0;
	s9 =	simm.s32 @!p1 $0x2;
	s10 =	smov.u32 @p3 s4  }
0x24: {  	s20 =	smov.u32 s13;
	s1 =	smov.u32 @p2 s5;
	p2 =	sgt.s32 s10, $0x38  }
0x25: {  	s13 =	smov.u32 s16;
	s10 =	smov.u32 @p2 s2;
	p2 =	sne.s32 s17, s8  }
.Ltmp1:
0x26: {  	s19 =	smov.u32 s11;
	s0 =	sand.u32 @!p1 $0x3FFFF800, s0;
	(pc) =	sbr.rel @!p2 .LBB1_15-.Ltmp1, $4  }
0x27: {  	s11 =	smov.u32 s14;
	s18 =	smov.u32 s12;
	_ =	swait.ge @!p1 [sflag:s9], s0  }
0x28: {  	s12 =	smov.u32 s15;
	s0 =	ssub.s32 @!p1 $0x0, s0;
	[sflag:s9] =	ssyncset.done @!p1 $0x0  }
0x29: {  	s14 =	smov.u32 s1;
	s7 =	simm.s32 @p3 $0x0;
	[sflag:s9] =	ssyncadd.s32 @!p1 s0  }
0x2a: {  	s15 =	smov.u32 s7;
	s17 =	sadd.s32 $0x1, s17;
	s16 =	smov.u32 s10  }
.LBB1_1:
0x2b: {  	p1 =	sge.u32 s17, s6  }
0x2c: {  	p2 =	sgt.s32 @!p1 s16, $0x35  }
0x2d: {  	s0 =	smov.u32 s16;
	s1 =	sshra.s32 @!p1 s16, $0x1F;
	p2 =	por !p2, p1  }
0x2e: {  	s4 =	smov.u32 s14;
	s1 =	sand.u32 @!p1 s1, s16;
	s0 =	simm.s32 @p2 $0x35  }
0x2f: {  	p3 =	sgt.s32 @!p1 s14, $0x38;
	s7 =	sshra.s32 @!p1 s14, $0x1F;
	s0 =	ssub.s32 @!p1 s0, s1  }
0x30: {  	p3 =	por !p3, p1;
	s7 =	sand.u32 @!p1 s7, s14;
	s1 =	sadd.s32 @!p1 $0xFFFFFFCB, s0  }
0x31: {  	s4 =	simm.s32 @p3 $0x38;
	p2 =	sgt.s32 @!p1 s1, $0x3;
	s1 =	ssub.s32 @!p1 $0x0, s15  }
0x32: {  	s4 =	ssub.s32 @!p1 s4, s7;
	s0 =	ssub.s32 @!p1 $0x39, s0;
	s1 =	smin.u32 @!p1 s15, s1  }
0x33: {  	s7 =	sadd.s32 @!p1 $0xFFFFFFC8, s4;
	p3 =	sgt.s32 @!p1 s1, $0x1;
	s1 =	sshll.u32 @!p1 s1, $0xB  }
0x34: {  	p2 =	por !p2, p1;
	s1 =	ssub.s32 @!p1 $0x1000, s1;
	p3 =	por !p3, p1  }
0x35: {  	s0 =	simm.s32 @!p2 $0x0;
	p2 =	sgt.s32 @!p1 s7, $0x0;
	s1 =	simm.s32 @!p3 $0x0  }
0x36: {  	s4 =	ssub.s32 @!p1 $0x39, s4;
	p2 =	por !p2, p1;
	s0 =	smul.u32 @!p1 s0, s1  }
0x37: {  	s4 =	simm.s32 @!p2 $0x0  }
0x38: {  	s0 =	smul.u32 @!p1 s4, s0  }
0x39: {  	s4 =	smul.u32 @!p1 $0x7200, s16  }
0x3a: {  	s31 =	sadd.s32 $0xFFFFFFFF, s17;
	s7 =	smul.u32 @!p1 $0x3900, s15;
	s1 =	sxor.u32 @!p1 $0xFFFFFFFF, s17  }
0x3b: {  	s9 =	sshll.u32 @!p1 s14, $0x8;
	s1 =	sshll.u32 @!p1 s1, $0xE;
	s4 =	sadd.s32 @!p1 s3, s4  }
0x3c: {  	s1 =	sand.u32 @!p1 $0x4000, s1;
	s0 =	sand.u32 @!p1 $0x3FFFF800, s0;
	s4 =	sadd.s32 @!p1 s7, s4  }
0x3d: {  	s7 =	simm.s32 @!p1 $0x800;
	s4 =	sadd.s32 @!p1 s9, s4;
	s9 =	simm.s32 @!p1 $0x1C800  }
0x3e: {  	[tilespmem:s1], [sflag:$0x1] =	stream.strided.gather @!p1 [hbm4b:s4+s7], s0, s9, s7, $0x38;
	[tilespmem:$0x10000] =	vst v63  }
0x3f: {  	p1 =	sge.u32 s31, s6  }
.Ltmp2:
0x40: {  	_ = 	snop;
	(pc) =	sbr.rel @p1 .LBB1_14-.Ltmp2, $1  }
0x41: {  	_ =	sdelay $0x3  }
0x42: {  	p1 =	sgt.s32 s13, $0x35;
	s0 =	smov.u32 s13;
	s1 =	sshra.s32 s13, $0x1F  }
0x43: {  	s4 =	sshra.s32 s11, $0x1F;
	s0 =	simm.s32 @!p1 $0x35;
	s1 =	sand.u32 s1, s13  }
0x44: {  	p1 =	sgt.s32 s11, $0x38;
	s0 =	ssub.s32 s0, s1;
	s1 =	smov.u32 s11  }
0x45: {  	s4 =	sand.u32 s4, s11;
	s1 =	simm.s32 @!p1 $0x38  }
0x46: {  	s29 =	ssub.s32 $0x0, s12;
	s7 =	sadd.s32 $0xFFFFFFCB, s0;
	s1 =	ssub.s32 s1, s4  }
0x47: {  	s0 =	ssub.s32 $0x39, s0;
	p1 =	sgt.s32 s7, $0x3;
	s30 =	sadd.s32 $0xFFFFFFC8, s1  }
0x48: {  	s4 =	smin.u32 s12, s29;
	s1 =	ssub.s32 $0x39, s1;
	p2 =	sgt.s32 s30, $0x0  }
0x49: {  	s0 =	simm.s32 @p1 $0x0;
	p1 =	sgt.s32 s4, $0x1;
	s1 =	simm.s32 @p2 $0x0  }
0x4a: {  	s4 =	ssub.s32 $0x2, s4;
	s0 =	smul.u32 s0, s1;
	s1 =	sadd.s32 $0x4, s13  }
0x4b: {  	s7 =	sadd.s32 $0x2, s12;
	s4 =	simm.s32 @p1 $0x0;
	p1 =	slt.s32 s1, $0x39  }
0x4c: {  	s1 =	simm.s32 @!p1 $0x39;
	p1 =	slt.s32 s7, $0x2  }
0x4d: {  	s22 =	ssub.s32 s1, s13;
	s7 =	simm.s32 @!p1 $0x2;
	s1 =	sadd.s32 $0x1, s11  }
0x4e: {  	s23 =	ssub.s32 s7, s12;
	p1 =	slt.s32 s1, $0x39;
	p2 =	slt.s32 s22, $0x1  }
0x4f: {  	s1 =	simm.s32 @!p1 $0x39;
	p1 =	slt.s32 @!p2 s23, $0x1  }
0x50: {  	s24 =	ssub.s32 s1, s11;
	p1 =	por p2, p1  }
0x51: {  	s0 =	smul.u32 s4, s0;
	p2 =	slt.s32 @!p1 s24, $0x1  }
0x52: {  	p1 =	por p1, p2  }
.Ltmp3:
0x53: {  	s0 =	sshll.u32 s0, $0xB;
	(pc) =	sbr.rel @p1 .LBB1_13-.Ltmp3, $4  }
0x54: {  	s31 =	simm.s32 $0x1;
	s21 =	sand.u32 $0x3FFFF800, s0  }
0x55: {  	_ =	swait.ge [sflag:s31], s21  }
0x56: {  	s0 =	ssub.s32 $0x0, s21;
	[sflag:s31] =	ssyncset.done $0x0  }
0x57: {  	[sflag:s31] =	ssyncadd.s32 s0  }
0x58: {  	s0 =	simm.s32 $0x1  }
0x59: {  	s0 =	simm.s32 @!p0 $0x0  }
0x5a: {  	s0 =	sshll.u32 s0, $0xE  }
0x5b: {  	s27 =	simm.s32 $0x0;
	s1 =	sor.u32 $0x8030, s0  }
.LBB1_4:
0x5c: {  	s26 =	smov.u32 s1;
	s25 =	smov.u32 s0;
	s30 =	simm.s32 $0x0  }
.LBB1_5:
0x5d: {  	s31 =	simm.s32 $0x0;
	s28 =	smov.u32 s26;
	s29 =	smov.u32 s25  }
.LBB1_6:
0x5e: {  	p2 =	por $0x1, $0x1;
	s4 =	simm.s32 $0x0  }
.LBB1_7:
0x5f: {  	s7 =	sshll.u32 s4, $0xA  }
0x60: {  	s7 =	sand.u32 $0x3FFFFC00, s7  }
0x61: {  	s7 =	sadd.s32 s7, s29  }
0x62: {  	v0 =	vmov s7;
	_ =	sdelay $0x3  }
0x63: {  	s7 =	simm.s32 $0x0  }
0x64: {  	v3 =	vld.idx.msk [tilespmem:v0+s7+$0x50 ss:$0x1], $0xffff  }
0x65: {  	v4 =	vld.idx.msk [tilespmem:v0+s7+$0x0 ss:$0x1], $0xffff  }
0x66: {  	v5 =	vld.idx.msk [tilespmem:v0+s7+$0x10 ss:$0x1], $0xffff  }
0x67: {  	s10 =	sshll.u32 s4, $0x7;
	v6 =	vld.idx.msk [tilespmem:v0+s7+$0x20 ss:$0x1], $0xffff  }
0x68: {  	s4 =	sand.u32 $0x3FFFFF80, s10;
	v7 =	vld.idx.msk [tilespmem:v0+s7+$0x30 ss:$0x1], $0xffff  }
0x69: {  	s9 =	simm.s32 $0x80;
	s10 =	sadd.s32 s4, s28;
	v2 =	vld.idx.msk [tilespmem:v0+s7+$0x40 ss:$0x1], $0xffff  }
0x6a: {  	v1 =	vld.idx.msk [tilespmem:v0+s9+$0x50 ss:$0x1], $0xffff;
	[tilespmem:s10+$0x20] =	vst v3  }
0x6b: {  	v3 =	vld.idx.msk [tilespmem:v0+s9+$0x0 ss:$0x1], $0xffff;
	[tilespmem:s10+$0xFFFFFFD0] =	vst v4  }
0x6c: {  	v4 =	vld.idx.msk [tilespmem:v0+s9+$0x10 ss:$0x1], $0xffff;
	[tilespmem:s10+$0xFFFFFFE0] =	vst v5  }
0x6d: {  	v5 =	vld.idx.msk [tilespmem:v0+s9+$0x20 ss:$0x1], $0xffff;
	[tilespmem:s10+$0xFFFFFFF0] =	vst v6  }
0x6e: {  	p1 =	por p2, p2;
	s4 =	simm.s32 $0x400;
	s7 =	sadd.s32 $0x200, s10;
	v6 =	vld.idx.msk [tilespmem:v0+s9+$0x30 ss:$0x1], $0xffff;
	[tilespmem:s10+$0x0] =	vst v7  }
.LBB1_8:
0x6f: {  	p2 =	sne.s32 s4, $0xE00;
	[tilespmem:s10+$0x10] =	vst v2;
	v2 =	vld.idx.msk [tilespmem:v0+s9+$0x40 ss:$0x1], $0xffff;
	s9 =	sshra.s32 s4, $0x2;
	s4 =	sadd.s32 $0x200, s4  }
.Ltmp4:
0x70: {  	s10 =	smov.u32 s7;
	[tilespmem:s7+$0x20] =	vst v1;
	v1 =	vld.idx.msk [tilespmem:v0+s9+$0x50 ss:$0x1], $0xffff;
	(pc) =	sbr.rel @p2 .LBB1_8-.Ltmp4, $4  }
0x71: {  	[tilespmem:s7+$0xFFFFFFD0] =	vst v3;
	v3 =	vld.idx.msk [tilespmem:v0+s9+$0x0 ss:$0x1], $0xffff  }
0x72: {  	[tilespmem:s7+$0xFFFFFFE0] =	vst v4;
	v4 =	vld.idx.msk [tilespmem:v0+s9+$0x10 ss:$0x1], $0xffff  }
0x73: {  	[tilespmem:s7+$0xFFFFFFF0] =	vst v5;
	v5 =	vld.idx.msk [tilespmem:v0+s9+$0x20 ss:$0x1], $0xffff  }
0x74: {  	s7 =	sadd.s32 $0x200, s7;
	[tilespmem:s10+$0x0] =	vst v6;
	v6 =	vld.idx.msk [tilespmem:v0+s9+$0x30 ss:$0x1], $0xffff  }
0x75: {  	_ =	sdelay $0x2  }
0x76: {  	[tilespmem:s10+$0x10] =	vst v2  }
0x77: {  	v0 =	vld.idx.msk [tilespmem:v0+s9+$0x40 ss:$0x1], $0xffff;
	[tilespmem:s7+$0x20] =	vst v1  }
.Ltmp5:
0x78: {  	[tilespmem:s7+$0xFFFFFFD0] =	vst v3;
	(pc) =	sbr.rel @p1 .LBB1_7-.Ltmp5, $4  }
0x79: {  	[tilespmem:s7+$0xFFFFFFE0] =	vst v4  }
0x7a: {  	[tilespmem:s7+$0xFFFFFFF0] =	vst v5  }
0x7b: {  	[tilespmem:s7+$0x0] =	vst v6  }
0x7c: {  	s4 =	simm.s32 $0x1;
	p2 =	por $0x0, $0x0;
	[tilespmem:s7+$0x10] =	vst v0  }
0x7d: {  	s31 =	sadd.s32 $0x1, s31  }
0x7e: {  	p1 =	sne.s32 s31, s24  }
.Ltmp6:
0x7f: {  	_ = 	snop;
	(pc) =	sbr.rel @p1 .LBB1_6-.Ltmp6, $2  }
0x80: {  	_ =	sdelay $0x2  }
0x81: {  	s29 =	sadd.s32 $0x800, s29;
	s28 =	sadd.s32 $0x1000, s28  }
0x82: {  	s30 =	sadd.s32 $0x1, s30  }
0x83: {  	p1 =	sne.s32 s30, s23  }
.Ltmp7:
0x84: {  	_ = 	snop;
	(pc) =	sbr.rel @p1 .LBB1_5-.Ltmp7, $2  }
0x85: {  	_ =	sdelay $0x2  }
0x86: {  	s25 =	sadd.s32 $0x800, s25;
	s26 =	sadd.s32 $0x100, s26  }
0x87: {  	s27 =	sadd.s32 $0x1, s27  }
0x88: {  	p1 =	sne.s32 s27, s22  }
.Ltmp8:
0x89: {  	_ = 	snop;
	(pc) =	sbr.rel @p1 .LBB1_4-.Ltmp8, $4  }
.Ltmp9:
0x8a: {  	_ = 	snop;
	(pc) =	sbr.rel @!p1 .LBB1_13-.Ltmp9, $4  }
0x8b: {  	_ = 	snop  }
0x8c: {  	_ = 	snop  }
0x8d: {  	s0 =	sadd.s32 $0x1000, s0;
	s1 =	sadd.s32 $0x1000, s1  }
0x8e: {  	_ = 	snop  }
.LBB1_15:
0x8f: {  	_ =	sfence.sel $0x180000  }
0x90: {  	s0 =	simm.s32 $0x1;
	[bflag:$0x0] =	sbarrier.arrive $0xFFFF  }
0x91: {  	s30 =	simm.s32 $0x2;
	[sflag:s0] =	ssyncpa.u1 $0x1  }
0x92: {  	[sflag:s30] =	ssyncpa.u1 $0x1  }
0x93: {  	_ =	strace $0x9000004A  }
0x94: {  	s31 =	stileid.u32;
	[bflag:$0x2] =	sbarrier.arrive $0xFFFF  }
0x95: {  	p0 =	sne.s32 s31, $0x0;
	s0 =	rddreg [dreg:$0x1]  }
0x96: {  	s0 =	sadd.s32 @!p0 $0x100000, s0  }
0x97: {  	[sflag:s0] =	ssyncadd.tile.s32 @!p0 $0x1;
	_ =	shalt  }
.Lfunc_end1:
_tile_overlayer_lowered:
.L_overlay_start_2:
0x98: {  	(tag) =	ssettag $0x2  }
0x99: {  	s0 =	rddreg [dreg:$0x0];
	s2 =	stileid.u32  }
0x9a: {  	s1 =	rddreg [dreg:$0x1];
	p0 =	sne.s32 s2, $0x0  }
0x9b: {  	s3 =	rddreg [dreg:$0x2];
	[bflag:$0x3] =	sbarrier.arrive $0xFFFF;
	s2 =	simm.s32 @!p0 $0x1C01  }
0x9c: {  	[timem:s3], [sflag:s2] =	dma.local @!p0 [hbm:s0], s1  }
0x9d: {  	s0 =	simm.s32 @!p0 $0x1  }
0x9e: {  	_ =	swait.ge @!p0 [sflag:s0], s1  }
0x9f: {  	s1 =	ssub.s32 @!p0 $0x0, s1;
	[sflag:s0] =	ssyncset.done @!p0 $0x0  }
0xa0: {  	[sflag:s0] =	ssyncadd.s32 @!p0 s1  }
0xa1: {  	[bflag:$0x3] =	sbarrier.arrive $0xFFFF  }
0xa2: {  	_ =	shalt  }

</sc_bundles>
